<compile_context>
chip_gen: v7x
topology: tpu7x:2x2x1
jax: 0.10.2.dev20260603
libtpu: 0.0.44.dev20260713+nightly
codegen_flags: <defaults>
</compile_context>

<pallas_src>
import functools

import jax
import jax.numpy as jnp
from jax import lax
from jax.experimental import pallas as pl
from jax.experimental.pallas import tpu as pltpu
from jax.experimental.pallas import tpu_sc as plsc

N = 4096
Q = 4096
D = 256
OUT_ROWS = 8192

NC, NS, L = 2, 16, 16
NW = NC * NS
BPW = Q // NW
HB = BPW // 2

_sc_mesh = plsc.VectorSubcoreMesh(core_axis_name="c", subcore_axis_name="s")


@functools.partial(
    pl.kernel,
    mesh=_sc_mesh,
    out_type=jax.ShapeDtypeStruct((Q, D), jnp.float32),
    scratch_types=[
        pltpu.VMEM((BPW,), jnp.int32),
        pltpu.VMEM((BPW, D), jnp.float32),
        pltpu.SemaphoreType.DMA,
    ],
)
def _sc_gather_q(x_hbm, inds_hbm, q_hbm, idx_v, rows_v, sem):
    wid = lax.axis_index("s") * NC + lax.axis_index("c")
    base = wid * BPW
    pltpu.sync_copy(inds_hbm.at[pl.ds(base, BPW)], idx_v)
    pltpu.async_copy(x_hbm.at[idx_v], rows_v, sem).wait()
    pltpu.sync_copy(rows_v, q_hbm.at[pl.ds(base, BPW)])


BQ = 1024
GRID = Q // BQ


SUB = 1
SB = BQ // SUB


def _tc_topk_body(q_ref, xb_ref, xsq_ref, r_ref, i2_ref, i3_ref):
    xb = xb_ref[...]
    xsq = xsq_ref[...]
    for c in range(SUB):
        rows = slice(c * SB, (c + 1) * SB)
        qf = q_ref[rows, :]
        q = qf.astype(jnp.bfloat16)
        mm = lax.dot_general(q, xb, (((1,), (1,)), ((), ())),
                             preferred_element_type=jnp.float32)
        qsq = jnp.sum(qf * qf, axis=1, keepdims=True)
        s = (qsq - 2.0 * mm) + xsq
        r = r_ref[rows]
        colsf = lax.broadcasted_iota(jnp.int32, (SB, N), 1).astype(jnp.float32)
        s = jnp.where(colsf == r[:, None].astype(jnp.float32),
                      jnp.float32(jnp.inf), s)
        big = jnp.float32(N)
        for t, ref in enumerate((i2_ref, i3_ref)):
            m = jnp.min(s, axis=1, keepdims=True)
            idxf = jnp.min(jnp.where(s == m, colsf, big), axis=1,
                           keepdims=True)
            ref[rows] = idxf[:, 0].astype(jnp.int32)
            if t == 0:
                s = jnp.where(colsf == idxf, jnp.float32(jnp.inf), s)


_tc_topk = pl.pallas_call(
    _tc_topk_body,
    grid=(GRID,),
    in_specs=[
        pl.BlockSpec((BQ, D), lambda i: (i, 0)),
        pl.BlockSpec((N, D), lambda i: (0, 0)),
        pl.BlockSpec((1, N), lambda i: (0, 0)),
        pl.BlockSpec((BQ,), lambda i: (i,)),
    ],
    out_specs=[
        pl.BlockSpec((BQ,), lambda i: (i,)),
        pl.BlockSpec((BQ,), lambda i: (i,)),
    ],
    out_shape=[jax.ShapeDtypeStruct((Q,), jnp.int32)] * 2,
)


@functools.partial(
    pl.kernel,
    mesh=_sc_mesh,
    out_type=jax.ShapeDtypeStruct((OUT_ROWS, D), jnp.float32),
    scratch_types=[
        pltpu.VMEM((HB,), jnp.int32),
        pltpu.VMEM((HB,), jnp.int32),
        pltpu.VMEM((HB,), jnp.int32),
        pltpu.VMEM((HB,), jnp.int32),
        pltpu.VMEM((HB, D), jnp.float32),
        pltpu.VMEM((HB, D), jnp.float32),
        pltpu.VMEM((HB, D), jnp.float32),
        pltpu.VMEM((HB, D), jnp.float32),
        pltpu.VMEM((HB, D), jnp.float32),
        pltpu.VMEM((HB, D), jnp.float32),
        pltpu.SemaphoreType.DMA,
        pltpu.SemaphoreType.DMA,
        pltpu.SemaphoreType.DMA,
        pltpu.SemaphoreType.DMA,
        pltpu.SemaphoreType.DMA,
    ],
)
def _sc_mean(x_hbm, q_hbm, i2_hbm, i3_hbm, out_hbm,
             i2a, i3a, i2b, i3b, a0, b0, c0, a1, b1, c1,
             isem, gsem0, gsem1, msem, xsem):
    wid = lax.axis_index("s") * NC + lax.axis_index("c")
    base = wid * BPW
    fs = [pltpu.async_copy(ih.at[pl.ds(base + h * HB, HB)], iv, isem)
          for h, bufs in ((0, (i2a, i3a)), (1, (i2b, i3b)))
          for ih, iv in zip((i2_hbm, i3_hbm), bufs)]
    for f in fs:
        f.wait()
    g0 = [pltpu.async_copy(q_hbm.at[pl.ds(base, HB)], a0, gsem0),
          pltpu.async_copy(x_hbm.at[i2a], b0, gsem0),
          pltpu.async_copy(x_hbm.at[i3a], c0, gsem0)]
    g1 = [pltpu.async_copy(q_hbm.at[pl.ds(base + HB, HB)], a1, gsem1),
          pltpu.async_copy(x_hbm.at[i2b], b1, gsem1),
          pltpu.async_copy(x_hbm.at[i3b], c1, gsem1)]
    third = jnp.float32(1.0 / 3.0)
    stores = []
    for h, gs, (av, bv, cv) in ((0, g0, (a0, b0, c0)), (1, g1, (a1, b1, c1))):
        for g in gs:
            g.wait()

        def row_body(r, carry, av=av, bv=bv, cv=cv):
            for ch in range(D // L):
                sl = pl.ds(ch * L, L)
                av[r, sl] = (av[r, sl] + bv[r, sl] + cv[r, sl]) * third
            return carry

        lax.fori_loop(0, HB, row_body, 0)
        stores.append(pltpu.async_copy(
            av, out_hbm.at[pl.ds(N + base + h * HB, HB)], msem))
    pltpu.sync_copy(x_hbm.at[pl.ds(base, HB)], b0)
    xs0 = pltpu.async_copy(b0, out_hbm.at[pl.ds(base, HB)], xsem)
    pltpu.sync_copy(x_hbm.at[pl.ds(base + HB, HB)], b1)
    xs1 = pltpu.async_copy(b1, out_hbm.at[pl.ds(base + HB, HB)], xsem)
    for s in stores:
        s.wait()
    xs0.wait()
    xs1.wait()


def kernel(x, rand_inds):
    q = _sc_gather_q(x, rand_inds)
    x_sq = jnp.sum(x * x, axis=1).reshape(1, N)
    xb = x.astype(jnp.bfloat16)
    i2, i3 = _tc_topk(q, xb, x_sq, rand_inds)
    return _sc_mean(x, q, i2, i3)

# --- scband reference (transcript-rebuilt; emitter-appended) ---
"""Pipeline reference for scband-knn-unpool-layer-16484084483005 (READ-ONLY COPY).

The authoritative reference and input builder live on the scoring server;
editing this copy changes nothing except your own understanding.
"""

import jax, jax.numpy as jnp
import numpy as np

N = 4096
NB_OUTPUTS = 8192
D = 256
K = 3


def setup_inputs(seed: int = 0) -> dict:
    key = jax.random.key(seed)
    k1, k2 = jax.random.split(key)
    x = jax.random.normal(k1, (N, D), dtype=jnp.float32)
    # The torch module draws rand_inds internally via np.random.randint;
    # we materialize them deterministically here so the reference is pure.
    rand_inds = jax.random.randint(k2, (NB_OUTPUTS - N,), 0, N, dtype=jnp.int32)
    return {"x": x, "rand_inds": rand_inds}


def _knn_mean(x, rand_inds):
    # queries = x[rand_inds]; find 3 nearest neighbors of each query in x,
    # then average the neighbor features (one mean per query/cluster).
    q = jnp.take(x, rand_inds, axis=0)  # [Q, D]
    x_sq = jnp.sum(x * x, axis=1)  # [N]
    q_sq = jnp.sum(q * q, axis=1)  # [Q]
    d2 = q_sq[:, None] - 2.0 * (q @ x.T) + x_sq[None, :]  # [Q, N]
    _, idx = jax.lax.top_k(-d2, K)  # [Q, K] nearest-neighbor indices
    neigh = jnp.take(x, idx, axis=0)  # [Q, K, D]
    return jnp.mean(neigh, axis=1)  # [Q, D]


def reference(x, rand_inds):
    result = _knn_mean(x, rand_inds)
    out = jnp.concatenate([x, result], axis=0)  # [NB_OUTPUTS, D]
    return out

if __name__ == "__main__":
    import jax
    _d = setup_inputs()
    print(jax.jit(kernel)(*tuple(_d.values())))

</pallas_src>

<mosaic_0001>
#map = affine_map<(d0, d1) -> (0, 0)>
#map1 = affine_map<(d0, d1) -> (0)>
module attributes {stable_mosaic.version = 14 : i64} {
  func.func @_sc_gather_q(%arg0: i32, %arg1: i32, %arg2: memref<4096x256xf32, #tpu.memory_space<hbm>>, %arg3: memref<4096xi32, #tpu.memory_space<hbm>>, %arg4: memref<4096x256xf32, #tpu.memory_space<hbm>>, %arg5: memref<128xi32, #tpu.memory_space<vmem>>, %arg6: memref<128x256xf32, #tpu.memory_space<vmem>>, %arg7: memref<!tpu.dma_semaphore, #tpu.memory_space<semaphore_mem>>) attributes {dimension_semantics = [#tpu.dimension_semantics<core_parallel>, #tpu.dimension_semantics<subcore_parallel>], iteration_bounds = array<i64: 2, 16>, scalar_prefetch = 0 : i64, scratch_operands = 3 : i64, tpu.core_type = #tpu.core_type<sc_vector_subcore>, window_params = [{transform_indices = #map}, {transform_indices = #map1}, {transform_indices = #map}]} {
    %mul3A = arith.constant 2 : i32
    %mul3A_0 = arith.muli %arg1, %mul3A : i32
    %add3A = arith.addi %mul3A_0, %arg0 : i32
    %mul3A_1 = arith.constant 128 : i32
    %mul3A_2 = arith.muli %add3A, %mul3A_1 : i32
    "tpu.region"() ({
      %run_scoped3A = tpu.sem_alloc : memref<!tpu.dma_semaphore, #tpu.memory_space<semaphore_mem>>
      %dma_start3A_7 = tpu.memref_slice %arg3[%mul3A_2] : memref<4096xi32, #tpu.memory_space<hbm>> -> memref<128xi32, #tpu.memory_space<hbm>>
      %dma_start3A_8 = tpu.memref_slice %arg3[%mul3A_2] : memref<4096xi32, #tpu.memory_space<hbm>> -> memref<128xi32, #tpu.memory_space<hbm>>
      tpu.enqueue_dma source(%dma_start3A_8 : memref<128xi32, #tpu.memory_space<hbm>>) target(%arg5 : memref<128xi32, #tpu.memory_space<vmem>>) target_semaphore(%run_scoped3A : memref<!tpu.dma_semaphore, #tpu.memory_space<semaphore_mem>>)
      %dma_wait3A_9 = tpu.memref_slice %arg3[%mul3A_2] : memref<4096xi32, #tpu.memory_space<hbm>> -> memref<128xi32, #tpu.memory_space<hbm>>
      %dma_wait3A_10 = tpu.memref_slice %arg3[%mul3A_2] : memref<4096xi32, #tpu.memory_space<hbm>> -> memref<128xi32, #tpu.memory_space<hbm>>
      tpu.wait_dma2 semaphore(%run_scoped3A : memref<!tpu.dma_semaphore, #tpu.memory_space<semaphore_mem>>) src(%dma_wait3A_10 : memref<128xi32, #tpu.memory_space<hbm>>) dst(%arg5 : memref<128xi32, #tpu.memory_space<vmem>>)
      tpu.yield
    }) : () -> ()
    %dma_start3A = arith.constant 0 : i32
    %dma_start3A_3 = arith.constant 0 : i32
    %dma_start3A_4 = tpu.memref_slice %arg2[%dma_start3A, %dma_start3A_3] : memref<4096x256xf32, #tpu.memory_space<hbm>> -> memref<4096x256xf32, #tpu.memory_space<hbm>>
    tpu.enqueue_indirect_dma source(%dma_start3A_4 : memref<4096x256xf32, #tpu.memory_space<hbm>>) target(%arg6 : memref<128x256xf32, #tpu.memory_space<vmem>>) offsets(%arg5 : memref<128xi32, #tpu.memory_space<vmem>>) semaphore(%arg7 : memref<!tpu.dma_semaphore, #tpu.memory_space<semaphore_mem>>)
    %dma_wait3A = arith.constant 0 : i32
    %dma_wait3A_5 = arith.constant 0 : i32
    %dma_wait3A_6 = tpu.memref_slice %arg2[%dma_wait3A, %dma_wait3A_5] : memref<4096x256xf32, #tpu.memory_space<hbm>> -> memref<4096x256xf32, #tpu.memory_space<hbm>>
    tpu.wait_indirect_dma semaphore(%arg7 : memref<!tpu.dma_semaphore, #tpu.memory_space<semaphore_mem>>) src(%dma_wait3A_6 : memref<4096x256xf32, #tpu.memory_space<hbm>>) dst(%arg6 : memref<128x256xf32, #tpu.memory_space<vmem>>)
    "tpu.region"() ({
      %run_scoped3A = tpu.sem_alloc : memref<!tpu.dma_semaphore, #tpu.memory_space<semaphore_mem>>
      %dma_start3A_7 = arith.constant 0 : i32
      %dma_start3A_8 = tpu.memref_slice %arg4[%mul3A_2, %dma_start3A_7] : memref<4096x256xf32, #tpu.memory_space<hbm>> -> memref<128x256xf32, #tpu.memory_space<hbm>>
      %dma_start3A_9 = arith.constant 0 : i32
      %dma_start3A_10 = tpu.memref_slice %arg4[%mul3A_2, %dma_start3A_9] : memref<4096x256xf32, #tpu.memory_space<hbm>> -> memref<128x256xf32, #tpu.memory_space<hbm>>
      tpu.enqueue_dma source(%arg6 : memref<128x256xf32, #tpu.memory_space<vmem>>) target(%dma_start3A_10 : memref<128x256xf32, #tpu.memory_space<hbm>>) target_semaphore(%run_scoped3A : memref<!tpu.dma_semaphore, #tpu.memory_space<semaphore_mem>>)
      %dma_wait3A_11 = arith.constant 0 : i32
      %dma_wait3A_12 = tpu.memref_slice %arg4[%mul3A_2, %dma_wait3A_11] : memref<4096x256xf32, #tpu.memory_space<hbm>> -> memref<128x256xf32, #tpu.memory_space<hbm>>
      %dma_wait3A_13 = arith.constant 0 : i32
      %dma_wait3A_14 = tpu.memref_slice %arg4[%mul3A_2, %dma_wait3A_13] : memref<4096x256xf32, #tpu.memory_space<hbm>> -> memref<128x256xf32, #tpu.memory_space<hbm>>
      tpu.wait_dma2 semaphore(%run_scoped3A : memref<!tpu.dma_semaphore, #tpu.memory_space<semaphore_mem>>) src(%arg6 : memref<128x256xf32, #tpu.memory_space<vmem>>) dst(%dma_wait3A_14 : memref<128x256xf32, #tpu.memory_space<hbm>>)
      tpu.yield
    }) : () -> ()
    return
  }
}

#map = affine_map<(d0, d1) -> (0, 0)>
#map1 = affine_map<(d0, d1) -> (0)>
module attributes {stable_mosaic.version = 14 : i64} {
  func.func @_sc_mean(%arg0: i32, %arg1: i32, %arg2: memref<4096x256xf32, #tpu.memory_space<hbm>>, %arg3: memref<4096x256xf32, #tpu.memory_space<hbm>>, %arg4: memref<4096xi32, #tpu.memory_space<hbm>>, %arg5: memref<4096xi32, #tpu.memory_space<hbm>>, %arg6: memref<8192x256xf32, #tpu.memory_space<hbm>>, %arg7: memref<64xi32, #tpu.memory_space<vmem>>, %arg8: memref<64xi32, #tpu.memory_space<vmem>>, %arg9: memref<64xi32, #tpu.memory_space<vmem>>, %arg10: memref<64xi32, #tpu.memory_space<vmem>>, %arg11: memref<64x256xf32, #tpu.memory_space<vmem>>, %arg12: memref<64x256xf32, #tpu.memory_space<vmem>>, %arg13: memref<64x256xf32, #tpu.memory_space<vmem>>, %arg14: memref<64x256xf32, #tpu.memory_space<vmem>>, %arg15: memref<64x256xf32, #tpu.memory_space<vmem>>, %arg16: memref<64x256xf32, #tpu.memory_space<vmem>>, %arg17: memref<!tpu.dma_semaphore, #tpu.memory_space<semaphore_mem>>, %arg18: memref<!tpu.dma_semaphore, #tpu.memory_space<semaphore_mem>>, %arg19: memref<!tpu.dma_semaphore, #tpu.memory_space<semaphore_mem>>, %arg20: memref<!tpu.dma_semaphore, #tpu.memory_space<semaphore_mem>>, %arg21: memref<!tpu.dma_semaphore, #tpu.memory_space<semaphore_mem>>) attributes {dimension_semantics = [#tpu.dimension_semantics<core_parallel>, #tpu.dimension_semantics<subcore_parallel>], iteration_bounds = array<i64: 2, 16>, scalar_prefetch = 0 : i64, scratch_operands = 15 : i64, tpu.core_type = #tpu.core_type<sc_vector_subcore>, window_params = [{transform_indices = #map}, {transform_indices = #map}, {transform_indices = #map1}, {transform_indices = #map1}, {transform_indices = #map}]} {
    %mul3A = arith.constant 2 : i32
    %mul3A_0 = arith.muli %arg1, %mul3A : i32
    %add3A = arith.addi %mul3A_0, %arg0 : i32
    %mul3A_1 = arith.constant 128 : i32
    %mul3A_2 = arith.muli %add3A, %mul3A_1 : i32
    %add3A_3 = arith.constant 0 : i32
    %add3A_4 = arith.addi %mul3A_2, %add3A_3 : i32
    %dma_start3A = tpu.memref_slice %arg4[%add3A_4] : memref<4096xi32, #tpu.memory_space<hbm>> -> memref<64xi32, #tpu.memory_space<hbm>>
    %dma_start3A_5 = tpu.memref_slice %arg4[%add3A_4] : memref<4096xi32, #tpu.memory_space<hbm>> -> memref<64xi32, #tpu.memory_space<hbm>>
    tpu.enqueue_dma source(%dma_start3A_5 : memref<64xi32, #tpu.memory_space<hbm>>) target(%arg7 : memref<64xi32, #tpu.memory_space<vmem>>) target_semaphore(%arg17 : memref<!tpu.dma_semaphore, #tpu.memory_space<semaphore_mem>>)
    %add3A_6 = arith.constant 0 : i32
    %add3A_7 = arith.addi %mul3A_2, %add3A_6 : i32
    %dma_start3A_8 = tpu.memref_slice %arg5[%add3A_7] : memref<4096xi32, #tpu.memory_space<hbm>> -> memref<64xi32, #tpu.memory_space<hbm>>
    %dma_start3A_9 = tpu.memref_slice %arg5[%add3A_7] : memref<4096xi32, #tpu.memory_space<hbm>> -> memref<64xi32, #tpu.memory_space<hbm>>
    tpu.enqueue_dma source(%dma_start3A_9 : memref<64xi32, #tpu.memory_space<hbm>>) target(%arg8 : memref<64xi32, #tpu.memory_space<vmem>>) target_semaphore(%arg17 : memref<!tpu.dma_semaphore, #tpu.memory_space<semaphore_mem>>)
    %add3A_10 = arith.constant 64 : i32
    %add3A_11 = arith.addi %mul3A_2, %add3A_10 : i32
    %dma_start3A_12 = tpu.memref_slice %arg4[%add3A_11] : memref<4096xi32, #tpu.memory_space<hbm>> -> memref<64xi32, #tpu.memory_space<hbm>>
    %dma_start3A_13 = tpu.memref_slice %arg4[%add3A_11] : memref<4096xi32, #tpu.memory_space<hbm>> -> memref<64xi32, #tpu.memory_space<hbm>>
    tpu.enqueue_dma source(%dma_start3A_13 : memref<64xi32, #tpu.memory_space<hbm>>) target(%arg9 : memref<64xi32, #tpu.memory_space<vmem>>) target_semaphore(%arg17 : memref<!tpu.dma_semaphore, #tpu.memory_space<semaphore_mem>>)
    %add3A_14 = arith.constant 64 : i32
    %add3A_15 = arith.addi %mul3A_2, %add3A_14 : i32
    %dma_start3A_16 = tpu.memref_slice %arg5[%add3A_15] : memref<4096xi32, #tpu.memory_space<hbm>> -> memref<64xi32, #tpu.memory_space<hbm>>
    %dma_start3A_17 = tpu.memref_slice %arg5[%add3A_15] : memref<4096xi32, #tpu.memory_space<hbm>> -> memref<64xi32, #tpu.memory_space<hbm>>
    tpu.enqueue_dma source(%dma_start3A_17 : memref<64xi32, #tpu.memory_space<hbm>>) target(%arg10 : memref<64xi32, #tpu.memory_space<vmem>>) target_semaphore(%arg17 : memref<!tpu.dma_semaphore, #tpu.memory_space<semaphore_mem>>)
    %dma_wait3A = tpu.memref_slice %arg4[%add3A_4] : memref<4096xi32, #tpu.memory_space<hbm>> -> memref<64xi32, #tpu.memory_space<hbm>>
    %dma_wait3A_18 = tpu.memref_slice %arg4[%add3A_4] : memref<4096xi32, #tpu.memory_space<hbm>> -> memref<64xi32, #tpu.memory_space<hbm>>
    tpu.wait_dma2 semaphore(%arg17 : memref<!tpu.dma_semaphore, #tpu.memory_space<semaphore_mem>>) src(%dma_wait3A_18 : memref<64xi32, #tpu.memory_space<hbm>>) dst(%arg7 : memref<64xi32, #tpu.memory_space<vmem>>)
    %dma_wait3A_19 = tpu.memref_slice %arg5[%add3A_7] : memref<4096xi32, #tpu.memory_space<hbm>> -> memref<64xi32, #tpu.memory_space<hbm>>
    %dma_wait3A_20 = tpu.memref_slice %arg5[%add3A_7] : memref<4096xi32, #tpu.memory_space<hbm>> -> memref<64xi32, #tpu.memory_space<hbm>>
    tpu.wait_dma2 semaphore(%arg17 : memref<!tpu.dma_semaphore, #tpu.memory_space<semaphore_mem>>) src(%dma_wait3A_20 : memref<64xi32, #tpu.memory_space<hbm>>) dst(%arg8 : memref<64xi32, #tpu.memory_space<vmem>>)
    %dma_wait3A_21 = tpu.memref_slice %arg4[%add3A_11] : memref<4096xi32, #tpu.memory_space<hbm>> -> memref<64xi32, #tpu.memory_space<hbm>>
    %dma_wait3A_22 = tpu.memref_slice %arg4[%add3A_11] : memref<4096xi32, #tpu.memory_space<hbm>> -> memref<64xi32, #tpu.memory_space<hbm>>
    tpu.wait_dma2 semaphore(%arg17 : memref<!tpu.dma_semaphore, #tpu.memory_space<semaphore_mem>>) src(%dma_wait3A_22 : memref<64xi32, #tpu.memory_space<hbm>>) dst(%arg9 : memref<64xi32, #tpu.memory_space<vmem>>)
    %dma_wait3A_23 = tpu.memref_slice %arg5[%add3A_15] : memref<4096xi32, #tpu.memory_space<hbm>> -> memref<64xi32, #tpu.memory_space<hbm>>
    %dma_wait3A_24 = tpu.memref_slice %arg5[%add3A_15] : memref<4096xi32, #tpu.memory_space<hbm>> -> memref<64xi32, #tpu.memory_space<hbm>>
    tpu.wait_dma2 semaphore(%arg17 : memref<!tpu.dma_semaphore, #tpu.memory_space<semaphore_mem>>) src(%dma_wait3A_24 : memref<64xi32, #tpu.memory_space<hbm>>) dst(%arg10 : memref<64xi32, #tpu.memory_space<vmem>>)
    %dma_start3A_25 = arith.constant 0 : i32
    %dma_start3A_26 = tpu.memref_slice %arg3[%mul3A_2, %dma_start3A_25] : memref<4096x256xf32, #tpu.memory_space<hbm>> -> memref<64x256xf32, #tpu.memory_space<hbm>>
    %dma_start3A_27 = arith.constant 0 : i32
    %dma_start3A_28 = tpu.memref_slice %arg3[%mul3A_2, %dma_start3A_27] : memref<4096x256xf32, #tpu.memory_space<hbm>> -> memref<64x256xf32, #tpu.memory_space<hbm>>
    tpu.enqueue_dma source(%dma_start3A_28 : memref<64x256xf32, #tpu.memory_space<hbm>>) target(%arg11 : memref<64x256xf32, #tpu.memory_space<vmem>>) target_semaphore(%arg18 : memref<!tpu.dma_semaphore, #tpu.memory_space<semaphore_mem>>)
    %dma_start3A_29 = arith.constant 0 : i32
    %dma_start3A_30 = arith.constant 0 : i32
    %dma_start3A_31 = tpu.memref_slice %arg2[%dma_start3A_29, %dma_start3A_30] : memref<4096x256xf32, #tpu.memory_space<hbm>> -> memref<4096x256xf32, #tpu.memory_space<hbm>>
    tpu.enqueue_indirect_dma source(%dma_start3A_31 : memref<4096x256xf32, #tpu.memory_space<hbm>>) target(%arg12 : memref<64x256xf32, #tpu.memory_space<vmem>>) offsets(%arg7 : memref<64xi32, #tpu.memory_space<vmem>>) semaphore(%arg18 : memref<!tpu.dma_semaphore, #tpu.memory_space<semaphore_mem>>)
    %dma_start3A_32 = arith.constant 0 : i32
    %dma_start3A_33 = arith.constant 0 : i32
    %dma_start3A_34 = tpu.memref_slice %arg2[%dma_start3A_32, %dma_start3A_33] : memref<4096x256xf32, #tpu.memory_space<hbm>> -> memref<4096x256xf32, #tpu.memory_space<hbm>>
    tpu.enqueue_indirect_dma source(%dma_start3A_34 : memref<4096x256xf32, #tpu.memory_space<hbm>>) target(%arg13 : memref<64x256xf32, #tpu.memory_space<vmem>>) offsets(%arg8 : memref<64xi32, #tpu.memory_space<vmem>>) semaphore(%arg18 : memref<!tpu.dma_semaphore, #tpu.memory_space<semaphore_mem>>)
    %add3A_35 = arith.constant 64 : i32
    %add3A_36 = arith.addi %mul3A_2, %add3A_35 : i32
    %dma_start3A_37 = arith.constant 0 : i32
    %dma_start3A_38 = tpu.memref_slice %arg3[%add3A_36, %dma_start3A_37] : memref<4096x256xf32, #tpu.memory_space<hbm>> -> memref<64x256xf32, #tpu.memory_space<hbm>>
    %dma_start3A_39 = arith.constant 0 : i32
    %dma_start3A_40 = tpu.memref_slice %arg3[%add3A_36, %dma_start3A_39] : memref<4096x256xf32, #tpu.memory_space<hbm>> -> memref<64x256xf32, #tpu.memory_space<hbm>>
    tpu.enqueue_dma source(%dma_start3A_40 : memref<64x256xf32, #tpu.memory_space<hbm>>) target(%arg14 : memref<64x256xf32, #tpu.memory_space<vmem>>) target_semaphore(%arg19 : memref<!tpu.dma_semaphore, #tpu.memory_space<semaphore_mem>>)
    %dma_start3A_41 = arith.constant 0 : i32
    %dma_start3A_42 = arith.constant 0 : i32
    %dma_start3A_43 = tpu.memref_slice %arg2[%dma_start3A_41, %dma_start3A_42] : memref<4096x256xf32, #tpu.memory_space<hbm>> -> memref<4096x256xf32, #tpu.memory_space<hbm>>
    tpu.enqueue_indirect_dma source(%dma_start3A_43 : memref<4096x256xf32, #tpu.memory_space<hbm>>) target(%arg15 : memref<64x256xf32, #tpu.memory_space<vmem>>) offsets(%arg9 : memref<64xi32, #tpu.memory_space<vmem>>) semaphore(%arg19 : memref<!tpu.dma_semaphore, #tpu.memory_space<semaphore_mem>>)
    %dma_start3A_44 = arith.constant 0 : i32
    %dma_start3A_45 = arith.constant 0 : i32
    %dma_start3A_46 = tpu.memref_slice %arg2[%dma_start3A_44, %dma_start3A_45] : memref<4096x256xf32, #tpu.memory_space<hbm>> -> memref<4096x256xf32, #tpu.memory_space<hbm>>
    tpu.enqueue_indirect_dma source(%dma_start3A_46 : memref<4096x256xf32, #tpu.memory_space<hbm>>) target(%arg16 : memref<64x256xf32, #tpu.memory_space<vmem>>) offsets(%arg10 : memref<64xi32, #tpu.memory_space<vmem>>) semaphore(%arg19 : memref<!tpu.dma_semaphore, #tpu.memory_space<semaphore_mem>>)
    %dma_wait3A_47 = arith.constant 0 : i32
    %dma_wait3A_48 = tpu.memref_slice %arg3[%mul3A_2, %dma_wait3A_47] : memref<4096x256xf32, #tpu.memory_space<hbm>> -> memref<64x256xf32, #tpu.memory_space<hbm>>
    %dma_wait3A_49 = arith.constant 0 : i32
    %dma_wait3A_50 = tpu.memref_slice %arg3[%mul3A_2, %dma_wait3A_49] : memref<4096x256xf32, #tpu.memory_space<hbm>> -> memref<64x256xf32, #tpu.memory_space<hbm>>
    tpu.wait_dma2 semaphore(%arg18 : memref<!tpu.dma_semaphore, #tpu.memory_space<semaphore_mem>>) src(%dma_wait3A_50 : memref<64x256xf32, #tpu.memory_space<hbm>>) dst(%arg11 : memref<64x256xf32, #tpu.memory_space<vmem>>)
    %dma_wait3A_51 = arith.constant 0 : i32
    %dma_wait3A_52 = arith.constant 0 : i32
    %dma_wait3A_53 = tpu.memref_slice %arg2[%dma_wait3A_51, %dma_wait3A_52] : memref<4096x256xf32, #tpu.memory_space<hbm>> -> memref<4096x256xf32, #tpu.memory_space<hbm>>
    tpu.wait_indirect_dma semaphore(%arg18 : memref<!tpu.dma_semaphore, #tpu.memory_space<semaphore_mem>>) src(%dma_wait3A_53 : memref<4096x256xf32, #tpu.memory_space<hbm>>) dst(%arg12 : memref<64x256xf32, #tpu.memory_space<vmem>>)
    %dma_wait3A_54 = arith.constant 0 : i32
    %dma_wait3A_55 = arith.constant 0 : i32
    %dma_wait3A_56 = tpu.memref_slice %arg2[%dma_wait3A_54, %dma_wait3A_55] : memref<4096x256xf32, #tpu.memory_space<hbm>> -> memref<4096x256xf32, #tpu.memory_space<hbm>>
    tpu.wait_indirect_dma semaphore(%arg18 : memref<!tpu.dma_semaphore, #tpu.memory_space<semaphore_mem>>) src(%dma_wait3A_56 : memref<4096x256xf32, #tpu.memory_space<hbm>>) dst(%arg13 : memref<64x256xf32, #tpu.memory_space<vmem>>)
    %scan3A = arith.constant 0 : i32
    %scan3A_57 = arith.constant 0.333333343 : f32
    %scan3A_58 = arith.constant 0 : i32
    %scan3A_59 = arith.constant 64 : i32
    %scan3A_60 = arith.addi %scan3A_58, %scan3A_59 : i32
    %scan3A_61 = arith.constant 1 : i32
    scf.for %scan3A_124 = %scan3A_58 to %scan3A_60 step %scan3A_61  : i32 {
      %get3A = arith.index_cast %scan3A_124 : i32 to index
      %get3A_125 = arith.constant 0 : index
      %get3A_126 = tpu.vector_load %arg11[%get3A, %get3A_125] {strides = array<i32>} : memref<64x256xf32, #tpu.memory_space<vmem>>, vector<1x16xf32>,
      %get3A_127 = vector.shape_cast %get3A_126 : vector<1x16xf32> to vector<16xf32>
      %get3A_128 = arith.index_cast %scan3A_124 : i32 to index
      %get3A_129 = arith.constant 0 : index
      %get3A_130 = tpu.vector_load %arg12[%get3A_128, %get3A_129] {strides = array<i32>} : memref<64x256xf32, #tpu.memory_space<vmem>>, vector<1x16xf32>,
      %get3A_131 = vector.shape_cast %get3A_130 : vector<1x16xf32> to vector<16xf32>
      %add3A_132 = arith.addf %get3A_127, %get3A_131 : vector<16xf32>
      %get3A_133 = arith.index_cast %scan3A_124 : i32 to index
      %get3A_134 = arith.constant 0 : index
      %get3A_135 = tpu.vector_load %arg13[%get3A_133, %get3A_134] {strides = array<i32>} : memref<64x256xf32, #tpu.memory_space<vmem>>, vector<1x16xf32>,
      %get3A_136 = vector.shape_cast %get3A_135 : vector<1x16xf32> to vector<16xf32>
      %add3A_137 = arith.addf %add3A_132, %get3A_136 : vector<16xf32>
      %mul3A_138 = vector.broadcast %scan3A_57 : f32 to vector<16xf32>
      %mul3A_139 = arith.mulf %add3A_137, %mul3A_138 : vector<16xf32>
      %swap3A = arith.index_cast %scan3A_124 : i32 to index
      %swap3A_140 = arith.constant 0 : index
      %swap3A_141 = tpu.vector_load %arg11[%swap3A, %swap3A_140] {strides = array<i32>} : memref<64x256xf32, #tpu.memory_space<vmem>>, vector<1x16xf32>,
      %swap3A_142 = vector.shape_cast %swap3A_141 : vector<1x16xf32> to vector<16xf32>
      %swap3A_143 = vector.shape_cast %mul3A_139 : vector<16xf32> to vector<1x16xf32>
      tpu.vector_store %arg11[%swap3A, %swap3A_140], %swap3A_143 {strides = array<i32>} : memref<64x256xf32, #tpu.memory_space<vmem>>, vector<1x16xf32>,
      %get3A_144 = arith.index_cast %scan3A_124 : i32 to index
      %get3A_145 = arith.constant 16 : index
      %get3A_146 = tpu.vector_load %arg11[%get3A_144, %get3A_145] {strides = array<i32>} : memref<64x256xf32, #tpu.memory_space<vmem>>, vector<1x16xf32>,
      %get3A_147 = vector.shape_cast %get3A_146 : vector<1x16xf32> to vector<16xf32>
      %get3A_148 = arith.index_cast %scan3A_124 : i32 to index
      %get3A_149 = arith.constant 16 : index
      %get3A_150 = tpu.vector_load %arg12[%get3A_148, %get3A_149] {strides = array<i32>} : memref<64x256xf32, #tpu.memory_space<vmem>>, vector<1x16xf32>,
      %get3A_151 = vector.shape_cast %get3A_150 : vector<1x16xf32> to vector<16xf32>
      %add3A_152 = arith.addf %get3A_147, %get3A_151 : vector<16xf32>
      %get3A_153 = arith.index_cast %scan3A_124 : i32 to index
      %get3A_154 = arith.constant 16 : index
      %get3A_155 = tpu.vector_load %arg13[%get3A_153, %get3A_154] {strides = array<i32>} : memref<64x256xf32, #tpu.memory_space<vmem>>, vector<1x16xf32>,
      %get3A_156 = vector.shape_cast %get3A_155 : vector<1x16xf32> to vector<16xf32>
      %add3A_157 = arith.addf %add3A_152, %get3A_156 : vector<16xf32>
      %mul3A_158 = vector.broadcast %scan3A_57 : f32 to vector<16xf32>
      %mul3A_159 = arith.mulf %add3A_157, %mul3A_158 : vector<16xf32>
      %swap3A_160 = arith.index_cast %scan3A_124 : i32 to index
      %swap3A_161 = arith.constant 16 : index
      %swap3A_162 = tpu.vector_load %arg11[%swap3A_160, %swap3A_161] {strides = array<i32>} : memref<64x256xf32, #tpu.memory_space<vmem>>, vector<1x16xf32>,
      %swap3A_163 = vector.shape_cast %swap3A_162 : vector<1x16xf32> to vector<16xf32>
      %swap3A_164 = vector.shape_cast %mul3A_159 : vector<16xf32> to vector<1x16xf32>
      tpu.vector_store %arg11[%swap3A_160, %swap3A_161], %swap3A_164 {strides = array<i32>} : memref<64x256xf32, #tpu.memory_space<vmem>>, vector<1x16xf32>,
      %get3A_165 = arith.index_cast %scan3A_124 : i32 to index
      %get3A_166 = arith.constant 32 : index
      %get3A_167 = tpu.vector_load %arg11[%get3A_165, %get3A_166] {strides = array<i32>} : memref<64x256xf32, #tpu.memory_space<vmem>>, vector<1x16xf32>,
      %get3A_168 = vector.shape_cast %get3A_167 : vector<1x16xf32> to vector<16xf32>
      %get3A_169 = arith.index_cast %scan3A_124 : i32 to index
      %get3A_170 = arith.constant 32 : index
      %get3A_171 = tpu.vector_load %arg12[%get3A_169, %get3A_170] {strides = array<i32>} : memref<64x256xf32, #tpu.memory_space<vmem>>, vector<1x16xf32>,
      %get3A_172 = vector.shape_cast %get3A_171 : vector<1x16xf32> to vector<16xf32>
      %add3A_173 = arith.addf %get3A_168, %get3A_172 : vector<16xf32>
      %get3A_174 = arith.index_cast %scan3A_124 : i32 to index
      %get3A_175 = arith.constant 32 : index
      %get3A_176 = tpu.vector_load %arg13[%get3A_174, %get3A_175] {strides = array<i32>} : memref<64x256xf32, #tpu.memory_space<vmem>>, vector<1x16xf32>,
      %get3A_177 = vector.shape_cast %get3A_176 : vector<1x16xf32> to vector<16xf32>
      %add3A_178 = arith.addf %add3A_173, %get3A_177 : vector<16xf32>
      %mul3A_179 = vector.broadcast %scan3A_57 : f32 to vector<16xf32>
      %mul3A_180 = arith.mulf %add3A_178, %mul3A_179 : vector<16xf32>
      %swap3A_181 = arith.index_cast %scan3A_124 : i32 to index
      %swap3A_182 = arith.constant 32 : index
      %swap3A_183 = tpu.vector_load %arg11[%swap3A_181, %swap3A_182] {strides = array<i32>} : memref<64x256xf32, #tpu.memory_space<vmem>>, vector<1x16xf32>,
      %swap3A_184 = vector.shape_cast %swap3A_183 : vector<1x16xf32> to vector<16xf32>
      %swap3A_185 = vector.shape_cast %mul3A_180 : vector<16xf32> to vector<1x16xf32>
      tpu.vector_store %arg11[%swap3A_181, %swap3A_182], %swap3A_185 {strides = array<i32>} : memref<64x256xf32, #tpu.memory_space<vmem>>, vector<1x16xf32>,
      %get3A_186 = arith.index_cast %scan3A_124 : i32 to index
      %get3A_187 = arith.constant 48 : index
      %get3A_188 = tpu.vector_load %arg11[%get3A_186, %get3A_187] {strides = array<i32>} : memref<64x256xf32, #tpu.memory_space<vmem>>, vector<1x16xf32>,
      %get3A_189 = vector.shape_cast %get3A_188 : vector<1x16xf32> to vector<16xf32>
      %get3A_190 = arith.index_cast %scan3A_124 : i32 to index
      %get3A_191 = arith.constant 48 : index
      %get3A_192 = tpu.vector_load %arg12[%get3A_190, %get3A_191] {strides = array<i32>} : memref<64x256xf32, #tpu.memory_space<vmem>>, vector<1x16xf32>,
      %get3A_193 = vector.shape_cast %get3A_192 : vector<1x16xf32> to vector<16xf32>
      %add3A_194 = arith.addf %get3A_189, %get3A_193 : vector<16xf32>
      %get3A_195 = arith.index_cast %scan3A_124 : i32 to index
      %get3A_196 = arith.constant 48 : index
      %get3A_197 = tpu.vector_load %arg13[%get3A_195, %get3A_196] {strides = array<i32>} : memref<64x256xf32, #tpu.memory_space<vmem>>, vector<1x16xf32>,
      %get3A_198 = vector.shape_cast %get3A_197 : vector<1x16xf32> to vector<16xf32>
      %add3A_199 = arith.addf %add3A_194, %get3A_198 : vector<16xf32>
      %mul3A_200 = vector.broadcast %scan3A_57 : f32 to vector<16xf32>
      %mul3A_201 = arith.mulf %add3A_199, %mul3A_200 : vector<16xf32>
      %swap3A_202 = arith.index_cast %scan3A_124 : i32 to index
      %swap3A_203 = arith.constant 48 : index
      %swap3A_204 = tpu.vector_load %arg11[%swap3A_202, %swap3A_203] {strides = array<i32>} : memref<64x256xf32, #tpu.memory_space<vmem>>, vector<1x16xf32>,
      %swap3A_205 = vector.shape_cast %swap3A_204 : vector<1x16xf32> to vector<16xf32>
      %swap3A_206 = vector.shape_cast %mul3A_201 : vector<16xf32> to vector<1x16xf32>
      tpu.vector_store %arg11[%swap3A_202, %swap3A_203], %swap3A_206 {strides = array<i32>} : memref<64x256xf32, #tpu.memory_space<vmem>>, vector<1x16xf32>,
      %get3A_207 = arith.index_cast %scan3A_124 : i32 to index
      %get3A_208 = arith.constant 64 : index
      %get3A_209 = tpu.vector_load %arg11[%get3A_207, %get3A_208] {strides = array<i32>} : memref<64x256xf32, #tpu.memory_space<vmem>>, vector<1x16xf32>,
      %get3A_210 = vector.shape_cast %get3A_209 : vector<1x16xf32> to vector<16xf32>
      %get3A_211 = arith.index_cast %scan3A_124 : i32 to index
      %get3A_212 = arith.constant 64 : index
      %get3A_213 = tpu.vector_load %arg12[%get3A_211, %get3A_212] {strides = array<i32>} : memref<64x256xf32, #tpu.memory_space<vmem>>, vector<1x16xf32>,
      %get3A_214 = vector.shape_cast %get3A_213 : vector<1x16xf32> to vector<16xf32>
      %add3A_215 = arith.addf %get3A_210, %get3A_214 : vector<16xf32>
      %get3A_216 = arith.index_cast %scan3A_124 : i32 to index
      %get3A_217 = arith.constant 64 : index
      %get3A_218 = tpu.vector_load %arg13[%get3A_216, %get3A_217] {strides = array<i32>} : memref<64x256xf32, #tpu.memory_space<vmem>>, vector<1x16xf32>,
      %get3A_219 = vector.shape_cast %get3A_218 : vector<1x16xf32> to vector<16xf32>
      %add3A_220 = arith.addf %add3A_215, %get3A_219 : vector<16xf32>
      %mul3A_221 = vector.broadcast %scan3A_57 : f32 to vector<16xf32>
      %mul3A_222 = arith.mulf %add3A_220, %mul3A_221 : vector<16xf32>
      %swap3A_223 = arith.index_cast %scan3A_124 : i32 to index
      %swap3A_224 = arith.constant 64 : index
      %swap3A_225 = tpu.vector_load %arg11[%swap3A_223, %swap3A_224] {strides = array<i32>} : memref<64x256xf32, #tpu.memory_space<vmem>>, vector<1x16xf32>,
      %swap3A_226 = vector.shape_cast %swap3A_225 : vector<1x16xf32> to vector<16xf32>
      %swap3A_227 = vector.shape_cast %mul3A_222 : vector<16xf32> to vector<1x16xf32>
      tpu.vector_store %arg11[%swap3A_223, %swap3A_224], %swap3A_227 {strides = array<i32>} : memref<64x256xf32, #tpu.memory_space<vmem>>, vector<1x16xf32>,
      %get3A_228 = arith.index_cast %scan3A_124 : i32 to index
      %get3A_229 = arith.constant 80 : index
      %get3A_230 = tpu.vector_load %arg11[%get3A_228, %get3A_229] {strides = array<i32>} : memref<64x256xf32, #tpu.memory_space<vmem>>, vector<1x16xf32>,
      %get3A_231 = vector.shape_cast %get3A_230 : vector<1x16xf32> to vector<16xf32>
      %get3A_232 = arith.index_cast %scan3A_124 : i32 to index
      %get3A_233 = arith.constant 80 : index
      %get3A_234 = tpu.vector_load %arg12[%get3A_232, %get3A_233] {strides = array<i32>} : memref<64x256xf32, #tpu.memory_space<vmem>>, vector<1x16xf32>,
      %get3A_235 = vector.shape_cast %get3A_234 : vector<1x16xf32> to vector<16xf32>
      %add3A_236 = arith.addf %get3A_231, %get3A_235 : vector<16xf32>
      %get3A_237 = arith.index_cast %scan3A_124 : i32 to index
      %get3A_238 = arith.constant 80 : index
      %get3A_239 = tpu.vector_load %arg13[%get3A_237, %get3A_238] {strides = array<i32>} : memref<64x256xf32, #tpu.memory_space<vmem>>, vector<1x16xf32>,
      %get3A_240 = vector.shape_cast %get3A_239 : vector<1x16xf32> to vector<16xf32>
      %add3A_241 = arith.addf %add3A_236, %get3A_240 : vector<16xf32>
      %mul3A_242 = vector.broadcast %scan3A_57 : f32 to vector<16xf32>
      %mul3A_243 = arith.mulf %add3A_241, %mul3A_242 : vector<16xf32>
      %swap3A_244 = arith.index_cast %scan3A_124 : i32 to index
      %swap3A_245 = arith.constant 80 : index
      %swap3A_246 = tpu.vector_load %arg11[%swap3A_244, %swap3A_245] {strides = array<i32>} : memref<64x256xf32, #tpu.memory_space<vmem>>, vector<1x16xf32>,
      %swap3A_247 = vector.shape_cast %swap3A_246 : vector<1x16xf32> to vector<16xf32>
      %swap3A_248 = vector.shape_cast %mul3A_243 : vector<16xf32> to vector<1x16xf32>
      tpu.vector_store %arg11[%swap3A_244, %swap3A_245], %swap3A_248 {strides = array<i32>} : memref<64x256xf32, #tpu.memory_space<vmem>>, vector<1x16xf32>,
      %get3A_249 = arith.index_cast %scan3A_124 : i32 to index
      %get3A_250 = arith.constant 96 : index
      %get3A_251 = tpu.vector_load %arg11[%get3A_249, %get3A_250] {strides = array<i32>} : memref<64x256xf32, #tpu.memory_space<vmem>>, vector<1x16xf32>,
      %get3A_252 = vector.shape_cast %get3A_251 : vector<1x16xf32> to vector<16xf32>
      %get3A_253 = arith.index_cast %scan3A_124 : i32 to index
      %get3A_254 = arith.constant 96 : index
      %get3A_255 = tpu.vector_load %arg12[%get3A_253, %get3A_254] {strides = array<i32>} : memref<64x256xf32, #tpu.memory_space<vmem>>, vector<1x16xf32>,
      %get3A_256 = vector.shape_cast %get3A_255 : vector<1x16xf32> to vector<16xf32>
      %add3A_257 = arith.addf %get3A_252, %get3A_256 : vector<16xf32>
      %get3A_258 = arith.index_cast %scan3A_124 : i32 to index
      %get3A_259 = arith.constant 96 : index
      %get3A_260 = tpu.vector_load %arg13[%get3A_258, %get3A_259] {strides = array<i32>} : memref<64x256xf32, #tpu.memory_space<vmem>>, vector<1x16xf32>,
      %get3A_261 = vector.shape_cast %get3A_260 : vector<1x16xf32> to vector<16xf32>
      %add3A_262 = arith.addf %add3A_257, %get3A_261 : vector<16xf32>
      %mul3A_263 = vector.broadcast %scan3A_57 : f32 to vector<16xf32>
      %mul3A_264 = arith.mulf %add3A_262, %mul3A_263 : vector<16xf32>
      %swap3A_265 = arith.index_cast %scan3A_124 : i32 to index
      %swap3A_266 = arith.constant 96 : index
      %swap3A_267 = tpu.vector_load %arg11[%swap3A_265, %swap3A_266] {strides = array<i32>} : memref<64x256xf32, #tpu.memory_space<vmem>>, vector<1x16xf32>,
      %swap3A_268 = vector.shape_cast %swap3A_267 : vector<1x16xf32> to vector<16xf32>
      %swap3A_269 = vector.shape_cast %mul3A_264 : vector<16xf32> to vector<1x16xf32>
      tpu.vector_store %arg11[%swap3A_265, %swap3A_266], %swap3A_269 {strides = array<i32>} : memref<64x256xf32, #tpu.memory_space<vmem>>, vector<1x16xf32>,
      %get3A_270 = arith.index_cast %scan3A_124 : i32 to index
      %get3A_271 = arith.constant 112 : index
      %get3A_272 = tpu.vector_load %arg11[%get3A_270, %get3A_271] {strides = array<i32>} : memref<64x256xf32, #tpu.memory_space<vmem>>, vector<1x16xf32>,
      %get3A_273 = vector.shape_cast %get3A_272 : vector<1x16xf32> to vector<16xf32>
      %get3A_274 = arith.index_cast %scan3A_124 : i32 to index
      %get3A_275 = arith.constant 112 : index
      %get3A_276 = tpu.vector_load %arg12[%get3A_274, %get3A_275] {strides = array<i32>} : memref<64x256xf32, #tpu.memory_space<vmem>>, vector<1x16xf32>,
      %get3A_277 = vector.shape_cast %get3A_276 : vector<1x16xf32> to vector<16xf32>
      %add3A_278 = arith.addf %get3A_273, %get3A_277 : vector<16xf32>
      %get3A_279 = arith.index_cast %scan3A_124 : i32 to index
      %get3A_280 = arith.constant 112 : index
      %get3A_281 = tpu.vector_load %arg13[%get3A_279, %get3A_280] {strides = array<i32>} : memref<64x256xf32, #tpu.memory_space<vmem>>, vector<1x16xf32>,
      %get3A_282 = vector.shape_cast %get3A_281 : vector<1x16xf32> to vector<16xf32>
      %add3A_283 = arith.addf %add3A_278, %get3A_282 : vector<16xf32>
      %mul3A_284 = vector.broadcast %scan3A_57 : f32 to vector<16xf32>
      %mul3A_285 = arith.mulf %add3A_283, %mul3A_284 : vector<16xf32>
      %swap3A_286 = arith.index_cast %scan3A_124 : i32 to index
      %swap3A_287 = arith.constant 112 : index
      %swap3A_288 = tpu.vector_load %arg11[%swap3A_286, %swap3A_287] {strides = array<i32>} : memref<64x256xf32, #tpu.memory_space<vmem>>, vector<1x16xf32>,
      %swap3A_289 = vector.shape_cast %swap3A_288 : vector<1x16xf32> to vector<16xf32>
      %swap3A_290 = vector.shape_cast %mul3A_285 : vector<16xf32> to vector<1x16xf32>
      tpu.vector_store %arg11[%swap3A_286, %swap3A_287], %swap3A_290 {strides = array<i32>} : memref<64x256xf32, #tpu.memory_space<vmem>>, vector<1x16xf32>,
      %get3A_291 = arith.index_cast %scan3A_124 : i32 to index
      %get3A_292 = arith.constant 128 : index
      %get3A_293 = tpu.vector_load %arg11[%get3A_291, %get3A_292] {strides = array<i32>} : memref<64x256xf32, #tpu.memory_space<vmem>>, vector<1x16xf32>,
      %get3A_294 = vector.shape_cast %get3A_293 : vector<1x16xf32> to vector<16xf32>
      %get3A_295 = arith.index_cast %scan3A_124 : i32 to index
      %get3A_296 = arith.constant 128 : index
      %get3A_297 = tpu.vector_load %arg12[%get3A_295, %get3A_296] {strides = array<i32>} : memref<64x256xf32, #tpu.memory_space<vmem>>, vector<1x16xf32>,
      %get3A_298 = vector.shape_cast %get3A_297 : vector<1x16xf32> to vector<16xf32>
      %add3A_299 = arith.addf %get3A_294, %get3A_298 : vector<16xf32>
      %get3A_300 = arith.index_cast %scan3A_124 : i32 to index
      %get3A_301 = arith.constant 128 : index
      %get3A_302 = tpu.vector_load %arg13[%get3A_300, %get3A_301] {strides = array<i32>} : memref<64x256xf32, #tpu.memory_space<vmem>>, vector<1x16xf32>,
      %get3A_303 = vector.shape_cast %get3A_302 : vector<1x16xf32> to vector<16xf32>
      %add3A_304 = arith.addf %add3A_299, %get3A_303 : vector<16xf32>
      %mul3A_305 = vector.broadcast %scan3A_57 : f32 to vector<16xf32>
      %mul3A_306 = arith.mulf %add3A_304, %mul3A_305 : vector<16xf32>
      %swap3A_307 = arith.index_cast %scan3A_124 : i32 to index
      %swap3A_308 = arith.constant 128 : index
      %swap3A_309 = tpu.vector_load %arg11[%swap3A_307, %swap3A_308] {strides = array<i32>} : memref<64x256xf32, #tpu.memory_space<vmem>>, vector<1x16xf32>,
      %swap3A_310 = vector.shape_cast %swap3A_309 : vector<1x16xf32> to vector<16xf32>
      %swap3A_311 = vector.shape_cast %mul3A_306 : vector<16xf32> to vector<1x16xf32>
      tpu.vector_store %arg11[%swap3A_307, %swap3A_308], %swap3A_311 {strides = array<i32>} : memref<64x256xf32, #tpu.memory_space<vmem>>, vector<1x16xf32>,
      %get3A_312 = arith.index_cast %scan3A_124 : i32 to index
      %get3A_313 = arith.constant 144 : index
      %get3A_314 = tpu.vector_load %arg11[%get3A_312, %get3A_313] {strides = array<i32>} : memref<64x256xf32, #tpu.memory_space<vmem>>, vector<1x16xf32>,
      %get3A_315 = vector.shape_cast %get3A_314 : vector<1x16xf32> to vector<16xf32>
      %get3A_316 = arith.index_cast %scan3A_124 : i32 to index
      %get3A_317 = arith.constant 144 : index
      %get3A_318 = tpu.vector_load %arg12[%get3A_316, %get3A_317] {strides = array<i32>} : memref<64x256xf32, #tpu.memory_space<vmem>>, vector<1x16xf32>,
      %get3A_319 = vector.shape_cast %get3A_318 : vector<1x16xf32> to vector<16xf32>
      %add3A_320 = arith.addf %get3A_315, %get3A_319 : vector<16xf32>
      %get3A_321 = arith.index_cast %scan3A_124 : i32 to index
      %get3A_322 = arith.constant 144 : index
      %get3A_323 = tpu.vector_load %arg13[%get3A_321, %get3A_322] {strides = array<i32>} : memref<64x256xf32, #tpu.memory_space<vmem>>, vector<1x16xf32>,
      %get3A_324 = vector.shape_cast %get3A_323 : vector<1x16xf32> to vector<16xf32>
      %add3A_325 = arith.addf %add3A_320, %get3A_324 : vector<16xf32>
      %mul3A_326 = vector.broadcast %scan3A_57 : f32 to vector<16xf32>
      %mul3A_327 = arith.mulf %add3A_325, %mul3A_326 : vector<16xf32>
      %swap3A_328 = arith.index_cast %scan3A_124 : i32 to index
      %swap3A_329 = arith.constant 144 : index
      %swap3A_330 = tpu.vector_load %arg11[%swap3A_328, %swap3A_329] {strides = array<i32>} : memref<64x256xf32, #tpu.memory_space<vmem>>, vector<1x16xf32>,
      %swap3A_331 = vector.shape_cast %swap3A_330 : vector<1x16xf32> to vector<16xf32>
      %swap3A_332 = vector.shape_cast %mul3A_327 : vector<16xf32> to vector<1x16xf32>
      tpu.vector_store %arg11[%swap3A_328, %swap3A_329], %swap3A_332 {strides = array<i32>} : memref<64x256xf32, #tpu.memory_space<vmem>>, vector<1x16xf32>,
      %get3A_333 = arith.index_cast %scan3A_124 : i32 to index
      %get3A_334 = arith.constant 160 : index
      %get3A_335 = tpu.vector_load %arg11[%get3A_333, %get3A_334] {strides = array<i32>} : memref<64x256xf32, #tpu.memory_space<vmem>>, vector<1x16xf32>,
      %get3A_336 = vector.shape_cast %get3A_335 : vector<1x16xf32> to vector<16xf32>
      %get3A_337 = arith.index_cast %scan3A_124 : i32 to index
      %get3A_338 = arith.constant 160 : index
      %get3A_339 = tpu.vector_load %arg12[%get3A_337, %get3A_338] {strides = array<i32>} : memref<64x256xf32, #tpu.memory_space<vmem>>, vector<1x16xf32>,
      %get3A_340 = vector.shape_cast %get3A_339 : vector<1x16xf32> to vector<16xf32>
      %add3A_341 = arith.addf %get3A_336, %get3A_340 : vector<16xf32>
      %get3A_342 = arith.index_cast %scan3A_124 : i32 to index
      %get3A_343 = arith.constant 160 : index
      %get3A_344 = tpu.vector_load %arg13[%get3A_342, %get3A_343] {strides = array<i32>} : memref<64x256xf32, #tpu.memory_space<vmem>>, vector<1x16xf32>,
      %get3A_345 = vector.shape_cast %get3A_344 : vector<1x16xf32> to vector<16xf32>
      %add3A_346 = arith.addf %add3A_341, %get3A_345 : vector<16xf32>
      %mul3A_347 = vector.broadcast %scan3A_57 : f32 to vector<16xf32>
      %mul3A_348 = arith.mulf %add3A_346, %mul3A_347 : vector<16xf32>
      %swap3A_349 = arith.index_cast %scan3A_124 : i32 to index
      %swap3A_350 = arith.constant 160 : index
      %swap3A_351 = tpu.vector_load %arg11[%swap3A_349, %swap3A_350] {strides = array<i32>} : memref<64x256xf32, #tpu.memory_space<vmem>>, vector<1x16xf32>,
      %swap3A_352 = vector.shape_cast %swap3A_351 : vector<1x16xf32> to vector<16xf32>
      %swap3A_353 = vector.shape_cast %mul3A_348 : vector<16xf32> to vector<1x16xf32>
      tpu.vector_store %arg11[%swap3A_349, %swap3A_350], %swap3A_353 {strides = array<i32>} : memref<64x256xf32, #tpu.memory_space<vmem>>, vector<1x16xf32>,
      %get3A_354 = arith.index_cast %scan3A_124 : i32 to index
      %get3A_355 = arith.constant 176 : index
      %get3A_356 = tpu.vector_load %arg11[%get3A_354, %get3A_355] {strides = array<i32>} : memref<64x256xf32, #tpu.memory_space<vmem>>, vector<1x16xf32>,
      %get3A_357 = vector.shape_cast %get3A_356 : vector<1x16xf32> to vector<16xf32>
      %get3A_358 = arith.index_cast %scan3A_124 : i32 to index
      %get3A_359 = arith.constant 176 : index
      %get3A_360 = tpu.vector_load %arg12[%get3A_358, %get3A_359] {strides = array<i32>} : memref<64x256xf32, #tpu.memory_space<vmem>>, vector<1x16xf32>,
      %get3A_361 = vector.shape_cast %get3A_360 : vector<1x16xf32> to vector<16xf32>
      %add3A_362 = arith.addf %get3A_357, %get3A_361 : vector<16xf32>
      %get3A_363 = arith.index_cast %scan3A_124 : i32 to index
      %get3A_364 = arith.constant 176 : index
      %get3A_365 = tpu.vector_load %arg13[%get3A_363, %get3A_364] {strides = array<i32>} : memref<64x256xf32, #tpu.memory_space<vmem>>, vector<1x16xf32>,
      %get3A_366 = vector.shape_cast %get3A_365 : vector<1x16xf32> to vector<16xf32>
      %add3A_367 = arith.addf %add3A_362, %get3A_366 : vector<16xf32>
      %mul3A_368 = vector.broadcast %scan3A_57 : f32 to vector<16xf32>
      %mul3A_369 = arith.mulf %add3A_367, %mul3A_368 : vector<16xf32>
      %swap3A_370 = arith.index_cast %scan3A_124 : i32 to index
      %swap3A_371 = arith.constant 176 : index
      %swap3A_372 = tpu.vector_load %arg11[%swap3A_370, %swap3A_371] {strides = array<i32>} : memref<64x256xf32, #tpu.memory_space<vmem>>, vector<1x16xf32>,
      %swap3A_373 = vector.shape_cast %swap3A_372 : vector<1x16xf32> to vector<16xf32>
      %swap3A_374 = vector.shape_cast %mul3A_369 : vector<16xf32> to vector<1x16xf32>
      tpu.vector_store %arg11[%swap3A_370, %swap3A_371], %swap3A_374 {strides = array<i32>} : memref<64x256xf32, #tpu.memory_space<vmem>>, vector<1x16xf32>,
      %get3A_375 = arith.index_cast %scan3A_124 : i32 to index
      %get3A_376 = arith.constant 192 : index
      %get3A_377 = tpu.vector_load %arg11[%get3A_375, %get3A_376] {strides = array<i32>} : memref<64x256xf32, #tpu.memory_space<vmem>>, vector<1x16xf32>,
      %get3A_378 = vector.shape_cast %get3A_377 : vector<1x16xf32> to vector<16xf32>
      %get3A_379 = arith.index_cast %scan3A_124 : i32 to index
      %get3A_380 = arith.constant 192 : index
      %get3A_381 = tpu.vector_load %arg12[%get3A_379, %get3A_380] {strides = array<i32>} : memref<64x256xf32, #tpu.memory_space<vmem>>, vector<1x16xf32>,
      %get3A_382 = vector.shape_cast %get3A_381 : vector<1x16xf32> to vector<16xf32>
      %add3A_383 = arith.addf %get3A_378, %get3A_382 : vector<16xf32>
      %get3A_384 = arith.index_cast %scan3A_124 : i32 to index
      %get3A_385 = arith.constant 192 : index
      %get3A_386 = tpu.vector_load %arg13[%get3A_384, %get3A_385] {strides = array<i32>} : memref<64x256xf32, #tpu.memory_space<vmem>>, vector<1x16xf32>,
      %get3A_387 = vector.shape_cast %get3A_386 : vector<1x16xf32> to vector<16xf32>
      %add3A_388 = arith.addf %add3A_383, %get3A_387 : vector<16xf32>
      %mul3A_389 = vector.broadcast %scan3A_57 : f32 to vector<16xf32>
      %mul3A_390 = arith.mulf %add3A_388, %mul3A_389 : vector<16xf32>
      %swap3A_391 = arith.index_cast %scan3A_124 : i32 to index
      %swap3A_392 = arith.constant 192 : index
      %swap3A_393 = tpu.vector_load %arg11[%swap3A_391, %swap3A_392] {strides = array<i32>} : memref<64x256xf32, #tpu.memory_space<vmem>>, vector<1x16xf32>,
      %swap3A_394 = vector.shape_cast %swap3A_393 : vector<1x16xf32> to vector<16xf32>
      %swap3A_395 = vector.shape_cast %mul3A_390 : vector<16xf32> to vector<1x16xf32>
      tpu.vector_store %arg11[%swap3A_391, %swap3A_392], %swap3A_395 {strides = array<i32>} : memref<64x256xf32, #tpu.memory_space<vmem>>, vector<1x16xf32>,
      %get3A_396 = arith.index_cast %scan3A_124 : i32 to index
      %get3A_397 = arith.constant 208 : index
      %get3A_398 = tpu.vector_load %arg11[%get3A_396, %get3A_397] {strides = array<i32>} : memref<64x256xf32, #tpu.memory_space<vmem>>, vector<1x16xf32>,
      %get3A_399 = vector.shape_cast %get3A_398 : vector<1x16xf32> to vector<16xf32>
      %get3A_400 = arith.index_cast %scan3A_124 : i32 to index
      %get3A_401 = arith.constant 208 : index
      %get3A_402 = tpu.vector_load %arg12[%get3A_400, %get3A_401] {strides = array<i32>} : memref<64x256xf32, #tpu.memory_space<vmem>>, vector<1x16xf32>,
      %get3A_403 = vector.shape_cast %get3A_402 : vector<1x16xf32> to vector<16xf32>
      %add3A_404 = arith.addf %get3A_399, %get3A_403 : vector<16xf32>
      %get3A_405 = arith.index_cast %scan3A_124 : i32 to index
      %get3A_406 = arith.constant 208 : index
      %get3A_407 = tpu.vector_load %arg13[%get3A_405, %get3A_406] {strides = array<i32>} : memref<64x256xf32, #tpu.memory_space<vmem>>, vector<1x16xf32>,
      %get3A_408 = vector.shape_cast %get3A_407 : vector<1x16xf32> to vector<16xf32>
      %add3A_409 = arith.addf %add3A_404, %get3A_408 : vector<16xf32>
      %mul3A_410 = vector.broadcast %scan3A_57 : f32 to vector<16xf32>
      %mul3A_411 = arith.mulf %add3A_409, %mul3A_410 : vector<16xf32>
      %swap3A_412 = arith.index_cast %scan3A_124 : i32 to index
      %swap3A_413 = arith.constant 208 : index
      %swap3A_414 = tpu.vector_load %arg11[%swap3A_412, %swap3A_413] {strides = array<i32>} : memref<64x256xf32, #tpu.memory_space<vmem>>, vector<1x16xf32>,
      %swap3A_415 = vector.shape_cast %swap3A_414 : vector<1x16xf32> to vector<16xf32>
      %swap3A_416 = vector.shape_cast %mul3A_411 : vector<16xf32> to vector<1x16xf32>
      tpu.vector_store %arg11[%swap3A_412, %swap3A_413], %swap3A_416 {strides = array<i32>} : memref<64x256xf32, #tpu.memory_space<vmem>>, vector<1x16xf32>,
      %get3A_417 = arith.index_cast %scan3A_124 : i32 to index
      %get3A_418 = arith.constant 224 : index
      %get3A_419 = tpu.vector_load %arg11[%get3A_417, %get3A_418] {strides = array<i32>} : memref<64x256xf32, #tpu.memory_space<vmem>>, vector<1x16xf32>,
      %get3A_420 = vector.shape_cast %get3A_419 : vector<1x16xf32> to vector<16xf32>
      %get3A_421 = arith.index_cast %scan3A_124 : i32 to index
      %get3A_422 = arith.constant 224 : index
      %get3A_423 = tpu.vector_load %arg12[%get3A_421, %get3A_422] {strides = array<i32>} : memref<64x256xf32, #tpu.memory_space<vmem>>, vector<1x16xf32>,
      %get3A_424 = vector.shape_cast %get3A_423 : vector<1x16xf32> to vector<16xf32>
      %add3A_425 = arith.addf %get3A_420, %get3A_424 : vector<16xf32>
      %get3A_426 = arith.index_cast %scan3A_124 : i32 to index
      %get3A_427 = arith.constant 224 : index
      %get3A_428 = tpu.vector_load %arg13[%get3A_426, %get3A_427] {strides = array<i32>} : memref<64x256xf32, #tpu.memory_space<vmem>>, vector<1x16xf32>,
      %get3A_429 = vector.shape_cast %get3A_428 : vector<1x16xf32> to vector<16xf32>
      %add3A_430 = arith.addf %add3A_425, %get3A_429 : vector<16xf32>
      %mul3A_431 = vector.broadcast %scan3A_57 : f32 to vector<16xf32>
      %mul3A_432 = arith.mulf %add3A_430, %mul3A_431 : vector<16xf32>
      %swap3A_433 = arith.index_cast %scan3A_124 : i32 to index
      %swap3A_434 = arith.constant 224 : index
      %swap3A_435 = tpu.vector_load %arg11[%swap3A_433, %swap3A_434] {strides = array<i32>} : memref<64x256xf32, #tpu.memory_space<vmem>>, vector<1x16xf32>,
      %swap3A_436 = vector.shape_cast %swap3A_435 : vector<1x16xf32> to vector<16xf32>
      %swap3A_437 = vector.shape_cast %mul3A_432 : vector<16xf32> to vector<1x16xf32>
      tpu.vector_store %arg11[%swap3A_433, %swap3A_434], %swap3A_437 {strides = array<i32>} : memref<64x256xf32, #tpu.memory_space<vmem>>, vector<1x16xf32>,
      %get3A_438 = arith.index_cast %scan3A_124 : i32 to index
      %get3A_439 = arith.constant 240 : index
      %get3A_440 = tpu.vector_load %arg11[%get3A_438, %get3A_439] {strides = array<i32>} : memref<64x256xf32, #tpu.memory_space<vmem>>, vector<1x16xf32>,
      %get3A_441 = vector.shape_cast %get3A_440 : vector<1x16xf32> to vector<16xf32>
      %get3A_442 = arith.index_cast %scan3A_124 : i32 to index
      %get3A_443 = arith.constant 240 : index
      %get3A_444 = tpu.vector_load %arg12[%get3A_442, %get3A_443] {strides = array<i32>} : memref<64x256xf32, #tpu.memory_space<vmem>>, vector<1x16xf32>,
      %get3A_445 = vector.shape_cast %get3A_444 : vector<1x16xf32> to vector<16xf32>
      %add3A_446 = arith.addf %get3A_441, %get3A_445 : vector<16xf32>
      %get3A_447 = arith.index_cast %scan3A_124 : i32 to index
      %get3A_448 = arith.constant 240 : index
      %get3A_449 = tpu.vector_load %arg13[%get3A_447, %get3A_448] {strides = array<i32>} : memref<64x256xf32, #tpu.memory_space<vmem>>, vector<1x16xf32>,
      %get3A_450 = vector.shape_cast %get3A_449 : vector<1x16xf32> to vector<16xf32>
      %add3A_451 = arith.addf %add3A_446, %get3A_450 : vector<16xf32>
      %mul3A_452 = vector.broadcast %scan3A_57 : f32 to vector<16xf32>
      %mul3A_453 = arith.mulf %add3A_451, %mul3A_452 : vector<16xf32>
      %swap3A_454 = arith.index_cast %scan3A_124 : i32 to index
      %swap3A_455 = arith.constant 240 : index
      %swap3A_456 = tpu.vector_load %arg11[%swap3A_454, %swap3A_455] {strides = array<i32>} : memref<64x256xf32, #tpu.memory_space<vmem>>, vector<1x16xf32>,
      %swap3A_457 = vector.shape_cast %swap3A_456 : vector<1x16xf32> to vector<16xf32>
      %swap3A_458 = vector.shape_cast %mul3A_453 : vector<16xf32> to vector<1x16xf32>
      tpu.vector_store %arg11[%swap3A_454, %swap3A_455], %swap3A_458 {strides = array<i32>} : memref<64x256xf32, #tpu.memory_space<vmem>>, vector<1x16xf32>,
    }
    %scan3A_62 = arith.constant 64 : i32
    %add3A_63 = arith.constant 4096 : i32
    %add3A_64 = arith.addi %add3A_63, %mul3A_2 : i32
    %add3A_65 = arith.constant 0 : i32
    %add3A_66 = arith.addi %add3A_64, %add3A_65 : i32
    %dma_start3A_67 = arith.constant 0 : i32
    %dma_start3A_68 = tpu.memref_slice %arg6[%add3A_66, %dma_start3A_67] : memref<8192x256xf32, #tpu.memory_space<hbm>> -> memref<64x256xf32, #tpu.memory_space<hbm>>
    %dma_start3A_69 = arith.constant 0 : i32
    %dma_start3A_70 = tpu.memref_slice %arg6[%add3A_66, %dma_start3A_69] : memref<8192x256xf32, #tpu.memory_space<hbm>> -> memref<64x256xf32, #tpu.memory_space<hbm>>
    tpu.enqueue_dma source(%arg11 : memref<64x256xf32, #tpu.memory_space<vmem>>) target(%dma_start3A_70 : memref<64x256xf32, #tpu.memory_space<hbm>>) target_semaphore(%arg20 : memref<!tpu.dma_semaphore, #tpu.memory_space<semaphore_mem>>)
    %dma_wait3A_71 = arith.constant 0 : i32
    %dma_wait3A_72 = tpu.memref_slice %arg3[%add3A_36, %dma_wait3A_71] : memref<4096x256xf32, #tpu.memory_space<hbm>> -> memref<64x256xf32, #tpu.memory_space<hbm>>
    %dma_wait3A_73 = arith.constant 0 : i32
    %dma_wait3A_74 = tpu.memref_slice %arg3[%add3A_36, %dma_wait3A_73] : memref<4096x256xf32, #tpu.memory_space<hbm>> -> memref<64x256xf32, #tpu.memory_space<hbm>>
    tpu.wait_dma2 semaphore(%arg19 : memref<!tpu.dma_semaphore, #tpu.memory_space<semaphore_mem>>) src(%dma_wait3A_74 : memref<64x256xf32, #tpu.memory_space<hbm>>) dst(%arg14 : memref<64x256xf32, #tpu.memory_space<vmem>>)
    %dma_wait3A_75 = arith.constant 0 : i32
    %dma_wait3A_76 = arith.constant 0 : i32
    %dma_wait3A_77 = tpu.memref_slice %arg2[%dma_wait3A_75, %dma_wait3A_76] : memref<4096x256xf32, #tpu.memory_space<hbm>> -> memref<4096x256xf32, #tpu.memory_space<hbm>>
    tpu.wait_indirect_dma semaphore(%arg19 : memref<!tpu.dma_semaphore, #tpu.memory_space<semaphore_mem>>) src(%dma_wait3A_77 : memref<4096x256xf32, #tpu.memory_space<hbm>>) dst(%arg15 : memref<64x256xf32, #tpu.memory_space<vmem>>)
    %dma_wait3A_78 = arith.constant 0 : i32
    %dma_wait3A_79 = arith.constant 0 : i32
    %dma_wait3A_80 = tpu.memref_slice %arg2[%dma_wait3A_78, %dma_wait3A_79] : memref<4096x256xf32, #tpu.memory_space<hbm>> -> memref<4096x256xf32, #tpu.memory_space<hbm>>
    tpu.wait_indirect_dma semaphore(%arg19 : memref<!tpu.dma_semaphore, #tpu.memory_space<semaphore_mem>>) src(%dma_wait3A_80 : memref<4096x256xf32, #tpu.memory_space<hbm>>) dst(%arg16 : memref<64x256xf32, #tpu.memory_space<vmem>>)
    %scan3A_81 = arith.constant 0 : i32
    %scan3A_82 = arith.constant 0.333333343 : f32
    %scan3A_83 = arith.constant 0 : i32
    %scan3A_84 = arith.constant 64 : i32
    %scan3A_85 = arith.addi %scan3A_83, %scan3A_84 : i32
    %scan3A_86 = arith.constant 1 : i32
    scf.for %scan3A_124 = %scan3A_83 to %scan3A_85 step %scan3A_86  : i32 {
      %get3A = arith.index_cast %scan3A_124 : i32 to index
      %get3A_125 = arith.constant 0 : index
      %get3A_126 = tpu.vector_load %arg14[%get3A, %get3A_125] {strides = array<i32>} : memref<64x256xf32, #tpu.memory_space<vmem>>, vector<1x16xf32>,
      %get3A_127 = vector.shape_cast %get3A_126 : vector<1x16xf32> to vector<16xf32>
      %get3A_128 = arith.index_cast %scan3A_124 : i32 to index
      %get3A_129 = arith.constant 0 : index
      %get3A_130 = tpu.vector_load %arg15[%get3A_128, %get3A_129] {strides = array<i32>} : memref<64x256xf32, #tpu.memory_space<vmem>>, vector<1x16xf32>,
      %get3A_131 = vector.shape_cast %get3A_130 : vector<1x16xf32> to vector<16xf32>
      %add3A_132 = arith.addf %get3A_127, %get3A_131 : vector<16xf32>
      %get3A_133 = arith.index_cast %scan3A_124 : i32 to index
      %get3A_134 = arith.constant 0 : index
      %get3A_135 = tpu.vector_load %arg16[%get3A_133, %get3A_134] {strides = array<i32>} : memref<64x256xf32, #tpu.memory_space<vmem>>, vector<1x16xf32>,
      %get3A_136 = vector.shape_cast %get3A_135 : vector<1x16xf32> to vector<16xf32>
      %add3A_137 = arith.addf %add3A_132, %get3A_136 : vector<16xf32>
      %mul3A_138 = vector.broadcast %scan3A_82 : f32 to vector<16xf32>
      %mul3A_139 = arith.mulf %add3A_137, %mul3A_138 : vector<16xf32>
      %swap3A = arith.index_cast %scan3A_124 : i32 to index
      %swap3A_140 = arith.constant 0 : index
      %swap3A_141 = tpu.vector_load %arg14[%swap3A, %swap3A_140] {strides = array<i32>} : memref<64x256xf32, #tpu.memory_space<vmem>>, vector<1x16xf32>,
      %swap3A_142 = vector.shape_cast %swap3A_141 : vector<1x16xf32> to vector<16xf32>
      %swap3A_143 = vector.shape_cast %mul3A_139 : vector<16xf32> to vector<1x16xf32>
      tpu.vector_store %arg14[%swap3A, %swap3A_140], %swap3A_143 {strides = array<i32>} : memref<64x256xf32, #tpu.memory_space<vmem>>, vector<1x16xf32>,
      %get3A_144 = arith.index_cast %scan3A_124 : i32 to index
      %get3A_145 = arith.constant 16 : index
      %get3A_146 = tpu.vector_load %arg14[%get3A_144, %get3A_145] {strides = array<i32>} : memref<64x256xf32, #tpu.memory_space<vmem>>, vector<1x16xf32>,
      %get3A_147 = vector.shape_cast %get3A_146 : vector<1x16xf32> to vector<16xf32>
      %get3A_148 = arith.index_cast %scan3A_124 : i32 to index
      %get3A_149 = arith.constant 16 : index
      %get3A_150 = tpu.vector_load %arg15[%get3A_148, %get3A_149] {strides = array<i32>} : memref<64x256xf32, #tpu.memory_space<vmem>>, vector<1x16xf32>,
      %get3A_151 = vector.shape_cast %get3A_150 : vector<1x16xf32> to vector<16xf32>
      %add3A_152 = arith.addf %get3A_147, %get3A_151 : vector<16xf32>
      %get3A_153 = arith.index_cast %scan3A_124 : i32 to index
      %get3A_154 = arith.constant 16 : index
      %get3A_155 = tpu.vector_load %arg16[%get3A_153, %get3A_154] {strides = array<i32>} : memref<64x256xf32, #tpu.memory_space<vmem>>, vector<1x16xf32>,
      %get3A_156 = vector.shape_cast %get3A_155 : vector<1x16xf32> to vector<16xf32>
      %add3A_157 = arith.addf %add3A_152, %get3A_156 : vector<16xf32>
      %mul3A_158 = vector.broadcast %scan3A_82 : f32 to vector<16xf32>
      %mul3A_159 = arith.mulf %add3A_157, %mul3A_158 : vector<16xf32>
      %swap3A_160 = arith.index_cast %scan3A_124 : i32 to index
      %swap3A_161 = arith.constant 16 : index
      %swap3A_162 = tpu.vector_load %arg14[%swap3A_160, %swap3A_161] {strides = array<i32>} : memref<64x256xf32, #tpu.memory_space<vmem>>, vector<1x16xf32>,
      %swap3A_163 = vector.shape_cast %swap3A_162 : vector<1x16xf32> to vector<16xf32>
      %swap3A_164 = vector.shape_cast %mul3A_159 : vector<16xf32> to vector<1x16xf32>
      tpu.vector_store %arg14[%swap3A_160, %swap3A_161], %swap3A_164 {strides = array<i32>} : memref<64x256xf32, #tpu.memory_space<vmem>>, vector<1x16xf32>,
      %get3A_165 = arith.index_cast %scan3A_124 : i32 to index
      %get3A_166 = arith.constant 32 : index
      %get3A_167 = tpu.vector_load %arg14[%get3A_165, %get3A_166] {strides = array<i32>} : memref<64x256xf32, #tpu.memory_space<vmem>>, vector<1x16xf32>,
      %get3A_168 = vector.shape_cast %get3A_167 : vector<1x16xf32> to vector<16xf32>
      %get3A_169 = arith.index_cast %scan3A_124 : i32 to index
      %get3A_170 = arith.constant 32 : index
      %get3A_171 = tpu.vector_load %arg15[%get3A_169, %get3A_170] {strides = array<i32>} : memref<64x256xf32, #tpu.memory_space<vmem>>, vector<1x16xf32>,
      %get3A_172 = vector.shape_cast %get3A_171 : vector<1x16xf32> to vector<16xf32>
      %add3A_173 = arith.addf %get3A_168, %get3A_172 : vector<16xf32>
      %get3A_174 = arith.index_cast %scan3A_124 : i32 to index
      %get3A_175 = arith.constant 32 : index
      %get3A_176 = tpu.vector_load %arg16[%get3A_174, %get3A_175] {strides = array<i32>} : memref<64x256xf32, #tpu.memory_space<vmem>>, vector<1x16xf32>,
      %get3A_177 = vector.shape_cast %get3A_176 : vector<1x16xf32> to vector<16xf32>
      %add3A_178 = arith.addf %add3A_173, %get3A_177 : vector<16xf32>
      %mul3A_179 = vector.broadcast %scan3A_82 : f32 to vector<16xf32>
      %mul3A_180 = arith.mulf %add3A_178, %mul3A_179 : vector<16xf32>
      %swap3A_181 = arith.index_cast %scan3A_124 : i32 to index
      %swap3A_182 = arith.constant 32 : index
      %swap3A_183 = tpu.vector_load %arg14[%swap3A_181, %swap3A_182] {strides = array<i32>} : memref<64x256xf32, #tpu.memory_space<vmem>>, vector<1x16xf32>,
      %swap3A_184 = vector.shape_cast %swap3A_183 : vector<1x16xf32> to vector<16xf32>
      %swap3A_185 = vector.shape_cast %mul3A_180 : vector<16xf32> to vector<1x16xf32>
      tpu.vector_store %arg14[%swap3A_181, %swap3A_182], %swap3A_185 {strides = array<i32>} : memref<64x256xf32, #tpu.memory_space<vmem>>, vector<1x16xf32>,
      %get3A_186 = arith.index_cast %scan3A_124 : i32 to index
      %get3A_187 = arith.constant 48 : index
      %get3A_188 = tpu.vector_load %arg14[%get3A_186, %get3A_187] {strides = array<i32>} : memref<64x256xf32, #tpu.memory_space<vmem>>, vector<1x16xf32>,
      %get3A_189 = vector.shape_cast %get3A_188 : vector<1x16xf32> to vector<16xf32>
      %get3A_190 = arith.index_cast %scan3A_124 : i32 to index
      %get3A_191 = arith.constant 48 : index
      %get3A_192 = tpu.vector_load %arg15[%get3A_190, %get3A_191] {strides = array<i32>} : memref<64x256xf32, #tpu.memory_space<vmem>>, vector<1x16xf32>,
      %get3A_193 = vector.shape_cast %get3A_192 : vector<1x16xf32> to vector<16xf32>
      %add3A_194 = arith.addf %get3A_189, %get3A_193 : vector<16xf32>
      %get3A_195 = arith.index_cast %scan3A_124 : i32 to index
      %get3A_196 = arith.constant 48 : index
      %get3A_197 = tpu.vector_load %arg16[%get3A_195, %get3A_196] {strides = array<i32>} : memref<64x256xf32, #tpu.memory_space<vmem>>, vector<1x16xf32>,
      %get3A_198 = vector.shape_cast %get3A_197 : vector<1x16xf32> to vector<16xf32>
      %add3A_199 = arith.addf %add3A_194, %get3A_198 : vector<16xf32>
      %mul3A_200 = vector.broadcast %scan3A_82 : f32 to vector<16xf32>
      %mul3A_201 = arith.mulf %add3A_199, %mul3A_200 : vector<16xf32>
      %swap3A_202 = arith.index_cast %scan3A_124 : i32 to index
      %swap3A_203 = arith.constant 48 : index
      %swap3A_204 = tpu.vector_load %arg14[%swap3A_202, %swap3A_203] {strides = array<i32>} : memref<64x256xf32, #tpu.memory_space<vmem>>, vector<1x16xf32>,
      %swap3A_205 = vector.shape_cast %swap3A_204 : vector<1x16xf32> to vector<16xf32>
      %swap3A_206 = vector.shape_cast %mul3A_201 : vector<16xf32> to vector<1x16xf32>
      tpu.vector_store %arg14[%swap3A_202, %swap3A_203], %swap3A_206 {strides = array<i32>} : memref<64x256xf32, #tpu.memory_space<vmem>>, vector<1x16xf32>,
      %get3A_207 = arith.index_cast %scan3A_124 : i32 to index
      %get3A_208 = arith.constant 64 : index
      %get3A_209 = tpu.vector_load %arg14[%get3A_207, %get3A_208] {strides = array<i32>} : memref<64x256xf32, #tpu.memory_space<vmem>>, vector<1x16xf32>,
      %get3A_210 = vector.shape_cast %get3A_209 : vector<1x16xf32> to vector<16xf32>
      %get3A_211 = arith.index_cast %scan3A_124 : i32 to index
      %get3A_212 = arith.constant 64 : index
      %get3A_213 = tpu.vector_load %arg15[%get3A_211, %get3A_212] {strides = array<i32>} : memref<64x256xf32, #tpu.memory_space<vmem>>, vector<1x16xf32>,
      %get3A_214 = vector.shape_cast %get3A_213 : vector<1x16xf32> to vector<16xf32>
      %add3A_215 = arith.addf %get3A_210, %get3A_214 : vector<16xf32>
      %get3A_216 = arith.index_cast %scan3A_124 : i32 to index
      %get3A_217 = arith.constant 64 : index
      %get3A_218 = tpu.vector_load %arg16[%get3A_216, %get3A_217] {strides = array<i32>} : memref<64x256xf32, #tpu.memory_space<vmem>>, vector<1x16xf32>,
      %get3A_219 = vector.shape_cast %get3A_218 : vector<1x16xf32> to vector<16xf32>
      %add3A_220 = arith.addf %add3A_215, %get3A_219 : vector<16xf32>
      %mul3A_221 = vector.broadcast %scan3A_82 : f32 to vector<16xf32>
      %mul3A_222 = arith.mulf %add3A_220, %mul3A_221 : vector<16xf32>
      %swap3A_223 = arith.index_cast %scan3A_124 : i32 to index
      %swap3A_224 = arith.constant 64 : index
      %swap3A_225 = tpu.vector_load %arg14[%swap3A_223, %swap3A_224] {strides = array<i32>} : memref<64x256xf32, #tpu.memory_space<vmem>>, vector<1x16xf32>,
      %swap3A_226 = vector.shape_cast %swap3A_225 : vector<1x16xf32> to vector<16xf32>
      %swap3A_227 = vector.shape_cast %mul3A_222 : vector<16xf32> to vector<1x16xf32>
      tpu.vector_store %arg14[%swap3A_223, %swap3A_224], %swap3A_227 {strides = array<i32>} : memref<64x256xf32, #tpu.memory_space<vmem>>, vector<1x16xf32>,
      %get3A_228 = arith.index_cast %scan3A_124 : i32 to index
      %get3A_229 = arith.constant 80 : index
      %get3A_230 = tpu.vector_load %arg14[%get3A_228, %get3A_229] {strides = array<i32>} : memref<64x256xf32, #tpu.memory_space<vmem>>, vector<1x16xf32>,
      %get3A_231 = vector.shape_cast %get3A_230 : vector<1x16xf32> to vector<16xf32>
      %get3A_232 = arith.index_cast %scan3A_124 : i32 to index
      %get3A_233 = arith.constant 80 : index
      %get3A_234 = tpu.vector_load %arg15[%get3A_232, %get3A_233] {strides = array<i32>} : memref<64x256xf32, #tpu.memory_space<vmem>>, vector<1x16xf32>,
      %get3A_235 = vector.shape_cast %get3A_234 : vector<1x16xf32> to vector<16xf32>
      %add3A_236 = arith.addf %get3A_231, %get3A_235 : vector<16xf32>
      %get3A_237 = arith.index_cast %scan3A_124 : i32 to index
      %get3A_238 = arith.constant 80 : index
      %get3A_239 = tpu.vector_load %arg16[%get3A_237, %get3A_238] {strides = array<i32>} : memref<64x256xf32, #tpu.memory_space<vmem>>, vector<1x16xf32>,
      %get3A_240 = vector.shape_cast %get3A_239 : vector<1x16xf32> to vector<16xf32>
      %add3A_241 = arith.addf %add3A_236, %get3A_240 : vector<16xf32>
      %mul3A_242 = vector.broadcast %scan3A_82 : f32 to vector<16xf32>
      %mul3A_243 = arith.mulf %add3A_241, %mul3A_242 : vector<16xf32>
      %swap3A_244 = arith.index_cast %scan3A_124 : i32 to index
      %swap3A_245 = arith.constant 80 : index
      %swap3A_246 = tpu.vector_load %arg14[%swap3A_244, %swap3A_245] {strides = array<i32>} : memref<64x256xf32, #tpu.memory_space<vmem>>, vector<1x16xf32>,
      %swap3A_247 = vector.shape_cast %swap3A_246 : vector<1x16xf32> to vector<16xf32>
      %swap3A_248 = vector.shape_cast %mul3A_243 : vector<16xf32> to vector<1x16xf32>
      tpu.vector_store %arg14[%swap3A_244, %swap3A_245], %swap3A_248 {strides = array<i32>} : memref<64x256xf32, #tpu.memory_space<vmem>>, vector<1x16xf32>,
      %get3A_249 = arith.index_cast %scan3A_124 : i32 to index
      %get3A_250 = arith.constant 96 : index
      %get3A_251 = tpu.vector_load %arg14[%get3A_249, %get3A_250] {strides = array<i32>} : memref<64x256xf32, #tpu.memory_space<vmem>>, vector<1x16xf32>,
      %get3A_252 = vector.shape_cast %get3A_251 : vector<1x16xf32> to vector<16xf32>
      %get3A_253 = arith.index_cast %scan3A_124 : i32 to index
      %get3A_254 = arith.constant 96 : index
      %get3A_255 = tpu.vector_load %arg15[%get3A_253, %get3A_254] {strides = array<i32>} : memref<64x256xf32, #tpu.memory_space<vmem>>, vector<1x16xf32>,
      %get3A_256 = vector.shape_cast %get3A_255 : vector<1x16xf32> to vector<16xf32>
      %add3A_257 = arith.addf %get3A_252, %get3A_256 : vector<16xf32>
      %get3A_258 = arith.index_cast %scan3A_124 : i32 to index
      %get3A_259 = arith.constant 96 : index
      %get3A_260 = tpu.vector_load %arg16[%get3A_258, %get3A_259] {strides = array<i32>} : memref<64x256xf32, #tpu.memory_space<vmem>>, vector<1x16xf32>,
      %get3A_261 = vector.shape_cast %get3A_260 : vector<1x16xf32> to vector<16xf32>
      %add3A_262 = arith.addf %add3A_257, %get3A_261 : vector<16xf32>
      %mul3A_263 = vector.broadcast %scan3A_82 : f32 to vector<16xf32>
      %mul3A_264 = arith.mulf %add3A_262, %mul3A_263 : vector<16xf32>
      %swap3A_265 = arith.index_cast %scan3A_124 : i32 to index
      %swap3A_266 = arith.constant 96 : index
      %swap3A_267 = tpu.vector_load %arg14[%swap3A_265, %swap3A_266] {strides = array<i32>} : memref<64x256xf32, #tpu.memory_space<vmem>>, vector<1x16xf32>,
      %swap3A_268 = vector.shape_cast %swap3A_267 : vector<1x16xf32> to vector<16xf32>
      %swap3A_269 = vector.shape_cast %mul3A_264 : vector<16xf32> to vector<1x16xf32>
      tpu.vector_store %arg14[%swap3A_265, %swap3A_266], %swap3A_269 {strides = array<i32>} : memref<64x256xf32, #tpu.memory_space<vmem>>, vector<1x16xf32>,
      %get3A_270 = arith.index_cast %scan3A_124 : i32 to index
      %get3A_271 = arith.constant 112 : index
      %get3A_272 = tpu.vector_load %arg14[%get3A_270, %get3A_271] {strides = array<i32>} : memref<64x256xf32, #tpu.memory_space<vmem>>, vector<1x16xf32>,
      %get3A_273 = vector.shape_cast %get3A_272 : vector<1x16xf32> to vector<16xf32>
      %get3A_274 = arith.index_cast %scan3A_124 : i32 to index
      %get3A_275 = arith.constant 112 : index
      %get3A_276 = tpu.vector_load %arg15[%get3A_274, %get3A_275] {strides = array<i32>} : memref<64x256xf32, #tpu.memory_space<vmem>>, vector<1x16xf32>,
      %get3A_277 = vector.shape_cast %get3A_276 : vector<1x16xf32> to vector<16xf32>
      %add3A_278 = arith.addf %get3A_273, %get3A_277 : vector<16xf32>
      %get3A_279 = arith.index_cast %scan3A_124 : i32 to index
      %get3A_280 = arith.constant 112 : index
      %get3A_281 = tpu.vector_load %arg16[%get3A_279, %get3A_280] {strides = array<i32>} : memref<64x256xf32, #tpu.memory_space<vmem>>, vector<1x16xf32>,
      %get3A_282 = vector.shape_cast %get3A_281 : vector<1x16xf32> to vector<16xf32>
      %add3A_283 = arith.addf %add3A_278, %get3A_282 : vector<16xf32>
      %mul3A_284 = vector.broadcast %scan3A_82 : f32 to vector<16xf32>
      %mul3A_285 = arith.mulf %add3A_283, %mul3A_284 : vector<16xf32>
      %swap3A_286 = arith.index_cast %scan3A_124 : i32 to index
      %swap3A_287 = arith.constant 112 : index
      %swap3A_288 = tpu.vector_load %arg14[%swap3A_286, %swap3A_287] {strides = array<i32>} : memref<64x256xf32, #tpu.memory_space<vmem>>, vector<1x16xf32>,
      %swap3A_289 = vector.shape_cast %swap3A_288 : vector<1x16xf32> to vector<16xf32>
      %swap3A_290 = vector.shape_cast %mul3A_285 : vector<16xf32> to vector<1x16xf32>
      tpu.vector_store %arg14[%swap3A_286, %swap3A_287], %swap3A_290 {strides = array<i32>} : memref<64x256xf32, #tpu.memory_space<vmem>>, vector<1x16xf32>,
      %get3A_291 = arith.index_cast %scan3A_124 : i32 to index
      %get3A_292 = arith.constant 128 : index
      %get3A_293 = tpu.vector_load %arg14[%get3A_291, %get3A_292] {strides = array<i32>} : memref<64x256xf32, #tpu.memory_space<vmem>>, vector<1x16xf32>,
      %get3A_294 = vector.shape_cast %get3A_293 : vector<1x16xf32> to vector<16xf32>
      %get3A_295 = arith.index_cast %scan3A_124 : i32 to index
      %get3A_296 = arith.constant 128 : index
      %get3A_297 = tpu.vector_load %arg15[%get3A_295, %get3A_296] {strides = array<i32>} : memref<64x256xf32, #tpu.memory_space<vmem>>, vector<1x16xf32>,
      %get3A_298 = vector.shape_cast %get3A_297 : vector<1x16xf32> to vector<16xf32>
      %add3A_299 = arith.addf %get3A_294, %get3A_298 : vector<16xf32>
      %get3A_300 = arith.index_cast %scan3A_124 : i32 to index
      %get3A_301 = arith.constant 128 : index
      %get3A_302 = tpu.vector_load %arg16[%get3A_300, %get3A_301] {strides = array<i32>} : memref<64x256xf32, #tpu.memory_space<vmem>>, vector<1x16xf32>,
      %get3A_303 = vector.shape_cast %get3A_302 : vector<1x16xf32> to vector<16xf32>
      %add3A_304 = arith.addf %add3A_299, %get3A_303 : vector<16xf32>
      %mul3A_305 = vector.broadcast %scan3A_82 : f32 to vector<16xf32>
      %mul3A_306 = arith.mulf %add3A_304, %mul3A_305 : vector<16xf32>
      %swap3A_307 = arith.index_cast %scan3A_124 : i32 to index
      %swap3A_308 = arith.constant 128 : index
      %swap3A_309 = tpu.vector_load %arg14[%swap3A_307, %swap3A_308] {strides = array<i32>} : memref<64x256xf32, #tpu.memory_space<vmem>>, vector<1x16xf32>,
      %swap3A_310 = vector.shape_cast %swap3A_309 : vector<1x16xf32> to vector<16xf32>
      %swap3A_311 = vector.shape_cast %mul3A_306 : vector<16xf32> to vector<1x16xf32>
      tpu.vector_store %arg14[%swap3A_307, %swap3A_308], %swap3A_311 {strides = array<i32>} : memref<64x256xf32, #tpu.memory_space<vmem>>, vector<1x16xf32>,
      %get3A_312 = arith.index_cast %scan3A_124 : i32 to index
      %get3A_313 = arith.constant 144 : index
      %get3A_314 = tpu.vector_load %arg14[%get3A_312, %get3A_313] {strides = array<i32>} : memref<64x256xf32, #tpu.memory_space<vmem>>, vector<1x16xf32>,
      %get3A_315 = vector.shape_cast %get3A_314 : vector<1x16xf32> to vector<16xf32>
      %get3A_316 = arith.index_cast %scan3A_124 : i32 to index
      %get3A_317 = arith.constant 144 : index
      %get3A_318 = tpu.vector_load %arg15[%get3A_316, %get3A_317] {strides = array<i32>} : memref<64x256xf32, #tpu.memory_space<vmem>>, vector<1x16xf32>,
      %get3A_319 = vector.shape_cast %get3A_318 : vector<1x16xf32> to vector<16xf32>
      %add3A_320 = arith.addf %get3A_315, %get3A_319 : vector<16xf32>
      %get3A_321 = arith.index_cast %scan3A_124 : i32 to index
      %get3A_322 = arith.constant 144 : index
      %get3A_323 = tpu.vector_load %arg16[%get3A_321, %get3A_322] {strides = array<i32>} : memref<64x256xf32, #tpu.memory_space<vmem>>, vector<1x16xf32>,
      %get3A_324 = vector.shape_cast %get3A_323 : vector<1x16xf32> to vector<16xf32>
      %add3A_325 = arith.addf %add3A_320, %get3A_324 : vector<16xf32>
      %mul3A_326 = vector.broadcast %scan3A_82 : f32 to vector<16xf32>
      %mul3A_327 = arith.mulf %add3A_325, %mul3A_326 : vector<16xf32>
      %swap3A_328 = arith.index_cast %scan3A_124 : i32 to index
      %swap3A_329 = arith.constant 144 : index
      %swap3A_330 = tpu.vector_load %arg14[%swap3A_328, %swap3A_329] {strides = array<i32>} : memref<64x256xf32, #tpu.memory_space<vmem>>, vector<1x16xf32>,
      %swap3A_331 = vector.shape_cast %swap3A_330 : vector<1x16xf32> to vector<16xf32>
      %swap3A_332 = vector.shape_cast %mul3A_327 : vector<16xf32> to vector<1x16xf32>
      tpu.vector_store %arg14[%swap3A_328, %swap3A_329], %swap3A_332 {strides = array<i32>} : memref<64x256xf32, #tpu.memory_space<vmem>>, vector<1x16xf32>,
      %get3A_333 = arith.index_cast %scan3A_124 : i32 to index
      %get3A_334 = arith.constant 160 : index
      %get3A_335 = tpu.vector_load %arg14[%get3A_333, %get3A_334] {strides = array<i32>} : memref<64x256xf32, #tpu.memory_space<vmem>>, vector<1x16xf32>,
      %get3A_336 = vector.shape_cast %get3A_335 : vector<1x16xf32> to vector<16xf32>
      %get3A_337 = arith.index_cast %scan3A_124 : i32 to index
      %get3A_338 = arith.constant 160 : index
      %get3A_339 = tpu.vector_load %arg15[%get3A_337, %get3A_338] {strides = array<i32>} : memref<64x256xf32, #tpu.memory_space<vmem>>, vector<1x16xf32>,
      %get3A_340 = vector.shape_cast %get3A_339 : vector<1x16xf32> to vector<16xf32>
      %add3A_341 = arith.addf %get3A_336, %get3A_340 : vector<16xf32>
      %get3A_342 = arith.index_cast %scan3A_124 : i32 to index
      %get3A_343 = arith.constant 160 : index
      %get3A_344 = tpu.vector_load %arg16[%get3A_342, %get3A_343] {strides = array<i32>} : memref<64x256xf32, #tpu.memory_space<vmem>>, vector<1x16xf32>,
      %get3A_345 = vector.shape_cast %get3A_344 : vector<1x16xf32> to vector<16xf32>
      %add3A_346 = arith.addf %add3A_341, %get3A_345 : vector<16xf32>
      %mul3A_347 = vector.broadcast %scan3A_82 : f32 to vector<16xf32>
      %mul3A_348 = arith.mulf %add3A_346, %mul3A_347 : vector<16xf32>
      %swap3A_349 = arith.index_cast %scan3A_124 : i32 to index
      %swap3A_350 = arith.constant 160 : index
      %swap3A_351 = tpu.vector_load %arg14[%swap3A_349, %swap3A_350] {strides = array<i32>} : memref<64x256xf32, #tpu.memory_space<vmem>>, vector<1x16xf32>,
      %swap3A_352 = vector.shape_cast %swap3A_351 : vector<1x16xf32> to vector<16xf32>
      %swap3A_353 = vector.shape_cast %mul3A_348 : vector<16xf32> to vector<1x16xf32>
      tpu.vector_store %arg14[%swap3A_349, %swap3A_350], %swap3A_353 {strides = array<i32>} : memref<64x256xf32, #tpu.memory_space<vmem>>, vector<1x16xf32>,
      %get3A_354 = arith.index_cast %scan3A_124 : i32 to index
      %get3A_355 = arith.constant 176 : index
      %get3A_356 = tpu.vector_load %arg14[%get3A_354, %get3A_355] {strides = array<i32>} : memref<64x256xf32, #tpu.memory_space<vmem>>, vector<1x16xf32>,
      %get3A_357 = vector.shape_cast %get3A_356 : vector<1x16xf32> to vector<16xf32>
      %get3A_358 = arith.index_cast %scan3A_124 : i32 to index
      %get3A_359 = arith.constant 176 : index
      %get3A_360 = tpu.vector_load %arg15[%get3A_358, %get3A_359] {strides = array<i32>} : memref<64x256xf32, #tpu.memory_space<vmem>>, vector<1x16xf32>,
      %get3A_361 = vector.shape_cast %get3A_360 : vector<1x16xf32> to vector<16xf32>
      %add3A_362 = arith.addf %get3A_357, %get3A_361 : vector<16xf32>
      %get3A_363 = arith.index_cast %scan3A_124 : i32 to index
      %get3A_364 = arith.constant 176 : index
      %get3A_365 = tpu.vector_load %arg16[%get3A_363, %get3A_364] {strides = array<i32>} : memref<64x256xf32, #tpu.memory_space<vmem>>, vector<1x16xf32>,
      %get3A_366 = vector.shape_cast %get3A_365 : vector<1x16xf32> to vector<16xf32>
      %add3A_367 = arith.addf %add3A_362, %get3A_366 : vector<16xf32>
      %mul3A_368 = vector.broadcast %scan3A_82 : f32 to vector<16xf32>
      %mul3A_369 = arith.mulf %add3A_367, %mul3A_368 : vector<16xf32>
      %swap3A_370 = arith.index_cast %scan3A_124 : i32 to index
      %swap3A_371 = arith.constant 176 : index
      %swap3A_372 = tpu.vector_load %arg14[%swap3A_370, %swap3A_371] {strides = array<i32>} : memref<64x256xf32, #tpu.memory_space<vmem>>, vector<1x16xf32>,
      %swap3A_373 = vector.shape_cast %swap3A_372 : vector<1x16xf32> to vector<16xf32>
      %swap3A_374 = vector.shape_cast %mul3A_369 : vector<16xf32> to vector<1x16xf32>
      tpu.vector_store %arg14[%swap3A_370, %swap3A_371], %swap3A_374 {strides = array<i32>} : memref<64x256xf32, #tpu.memory_space<vmem>>, vector<1x16xf32>,
      %get3A_375 = arith.index_cast %scan3A_124 : i32 to index
      %get3A_376 = arith.constant 192 : index
      %get3A_377 = tpu.vector_load %arg14[%get3A_375, %get3A_376] {strides = array<i32>} : memref<64x256xf32, #tpu.memory_space<vmem>>, vector<1x16xf32>,
      %get3A_378 = vector.shape_cast %get3A_377 : vector<1x16xf32> to vector<16xf32>
      %get3A_379 = arith.index_cast %scan3A_124 : i32 to index
      %get3A_380 = arith.constant 192 : index
      %get3A_381 = tpu.vector_load %arg15[%get3A_379, %get3A_380] {strides = array<i32>} : memref<64x256xf32, #tpu.memory_space<vmem>>, vector<1x16xf32>,
      %get3A_382 = vector.shape_cast %get3A_381 : vector<1x16xf32> to vector<16xf32>
      %add3A_383 = arith.addf %get3A_378, %get3A_382 : vector<16xf32>
      %get3A_384 = arith.index_cast %scan3A_124 : i32 to index
      %get3A_385 = arith.constant 192 : index
      %get3A_386 = tpu.vector_load %arg16[%get3A_384, %get3A_385] {strides = array<i32>} : memref<64x256xf32, #tpu.memory_space<vmem>>, vector<1x16xf32>,
      %get3A_387 = vector.shape_cast %get3A_386 : vector<1x16xf32> to vector<16xf32>
      %add3A_388 = arith.addf %add3A_383, %get3A_387 : vector<16xf32>
      %mul3A_389 = vector.broadcast %scan3A_82 : f32 to vector<16xf32>
      %mul3A_390 = arith.mulf %add3A_388, %mul3A_389 : vector<16xf32>
      %swap3A_391 = arith.index_cast %scan3A_124 : i32 to index
      %swap3A_392 = arith.constant 192 : index
      %swap3A_393 = tpu.vector_load %arg14[%swap3A_391, %swap3A_392] {strides = array<i32>} : memref<64x256xf32, #tpu.memory_space<vmem>>, vector<1x16xf32>,
      %swap3A_394 = vector.shape_cast %swap3A_393 : vector<1x16xf32> to vector<16xf32>
      %swap3A_395 = vector.shape_cast %mul3A_390 : vector<16xf32> to vector<1x16xf32>
      tpu.vector_store %arg14[%swap3A_391, %swap3A_392], %swap3A_395 {strides = array<i32>} : memref<64x256xf32, #tpu.memory_space<vmem>>, vector<1x16xf32>,
      %get3A_396 = arith.index_cast %scan3A_124 : i32 to index
      %get3A_397 = arith.constant 208 : index
      %get3A_398 = tpu.vector_load %arg14[%get3A_396, %get3A_397] {strides = array<i32>} : memref<64x256xf32, #tpu.memory_space<vmem>>, vector<1x16xf32>,
      %get3A_399 = vector.shape_cast %get3A_398 : vector<1x16xf32> to vector<16xf32>
      %get3A_400 = arith.index_cast %scan3A_124 : i32 to index
      %get3A_401 = arith.constant 208 : index
      %get3A_402 = tpu.vector_load %arg15[%get3A_400, %get3A_401] {strides = array<i32>} : memref<64x256xf32, #tpu.memory_space<vmem>>, vector<1x16xf32>,
      %get3A_403 = vector.shape_cast %get3A_402 : vector<1x16xf32> to vector<16xf32>
      %add3A_404 = arith.addf %get3A_399, %get3A_403 : vector<16xf32>
      %get3A_405 = arith.index_cast %scan3A_124 : i32 to index
      %get3A_406 = arith.constant 208 : index
      %get3A_407 = tpu.vector_load %arg16[%get3A_405, %get3A_406] {strides = array<i32>} : memref<64x256xf32, #tpu.memory_space<vmem>>, vector<1x16xf32>,
      %get3A_408 = vector.shape_cast %get3A_407 : vector<1x16xf32> to vector<16xf32>
      %add3A_409 = arith.addf %add3A_404, %get3A_408 : vector<16xf32>
      %mul3A_410 = vector.broadcast %scan3A_82 : f32 to vector<16xf32>
      %mul3A_411 = arith.mulf %add3A_409, %mul3A_410 : vector<16xf32>
      %swap3A_412 = arith.index_cast %scan3A_124 : i32 to index
      %swap3A_413 = arith.constant 208 : index
      %swap3A_414 = tpu.vector_load %arg14[%swap3A_412, %swap3A_413] {strides = array<i32>} : memref<64x256xf32, #tpu.memory_space<vmem>>, vector<1x16xf32>,
      %swap3A_415 = vector.shape_cast %swap3A_414 : vector<1x16xf32> to vector<16xf32>
      %swap3A_416 = vector.shape_cast %mul3A_411 : vector<16xf32> to vector<1x16xf32>
      tpu.vector_store %arg14[%swap3A_412, %swap3A_413], %swap3A_416 {strides = array<i32>} : memref<64x256xf32, #tpu.memory_space<vmem>>, vector<1x16xf32>,
      %get3A_417 = arith.index_cast %scan3A_124 : i32 to index
      %get3A_418 = arith.constant 224 : index
      %get3A_419 = tpu.vector_load %arg14[%get3A_417, %get3A_418] {strides = array<i32>} : memref<64x256xf32, #tpu.memory_space<vmem>>, vector<1x16xf32>,
      %get3A_420 = vector.shape_cast %get3A_419 : vector<1x16xf32> to vector<16xf32>
      %get3A_421 = arith.index_cast %scan3A_124 : i32 to index
      %get3A_422 = arith.constant 224 : index
      %get3A_423 = tpu.vector_load %arg15[%get3A_421, %get3A_422] {strides = array<i32>} : memref<64x256xf32, #tpu.memory_space<vmem>>, vector<1x16xf32>,
      %get3A_424 = vector.shape_cast %get3A_423 : vector<1x16xf32> to vector<16xf32>
      %add3A_425 = arith.addf %get3A_420, %get3A_424 : vector<16xf32>
      %get3A_426 = arith.index_cast %scan3A_124 : i32 to index
      %get3A_427 = arith.constant 224 : index
      %get3A_428 = tpu.vector_load %arg16[%get3A_426, %get3A_427] {strides = array<i32>} : memref<64x256xf32, #tpu.memory_space<vmem>>, vector<1x16xf32>,
      %get3A_429 = vector.shape_cast %get3A_428 : vector<1x16xf32> to vector<16xf32>
      %add3A_430 = arith.addf %add3A_425, %get3A_429 : vector<16xf32>
      %mul3A_431 = vector.broadcast %scan3A_82 : f32 to vector<16xf32>
      %mul3A_432 = arith.mulf %add3A_430, %mul3A_431 : vector<16xf32>
      %swap3A_433 = arith.index_cast %scan3A_124 : i32 to index
      %swap3A_434 = arith.constant 224 : index
      %swap3A_435 = tpu.vector_load %arg14[%swap3A_433, %swap3A_434] {strides = array<i32>} : memref<64x256xf32, #tpu.memory_space<vmem>>, vector<1x16xf32>,
      %swap3A_436 = vector.shape_cast %swap3A_435 : vector<1x16xf32> to vector<16xf32>
      %swap3A_437 = vector.shape_cast %mul3A_432 : vector<16xf32> to vector<1x16xf32>
      tpu.vector_store %arg14[%swap3A_433, %swap3A_434], %swap3A_437 {strides = array<i32>} : memref<64x256xf32, #tpu.memory_space<vmem>>, vector<1x16xf32>,
      %get3A_438 = arith.index_cast %scan3A_124 : i32 to index
      %get3A_439 = arith.constant 240 : index
      %get3A_440 = tpu.vector_load %arg14[%get3A_438, %get3A_439] {strides = array<i32>} : memref<64x256xf32, #tpu.memory_space<vmem>>, vector<1x16xf32>,
      %get3A_441 = vector.shape_cast %get3A_440 : vector<1x16xf32> to vector<16xf32>
      %get3A_442 = arith.index_cast %scan3A_124 : i32 to index
      %get3A_443 = arith.constant 240 : index
      %get3A_444 = tpu.vector_load %arg15[%get3A_442, %get3A_443] {strides = array<i32>} : memref<64x256xf32, #tpu.memory_space<vmem>>, vector<1x16xf32>,
      %get3A_445 = vector.shape_cast %get3A_444 : vector<1x16xf32> to vector<16xf32>
      %add3A_446 = arith.addf %get3A_441, %get3A_445 : vector<16xf32>
      %get3A_447 = arith.index_cast %scan3A_124 : i32 to index
      %get3A_448 = arith.constant 240 : index
      %get3A_449 = tpu.vector_load %arg16[%get3A_447, %get3A_448] {strides = array<i32>} : memref<64x256xf32, #tpu.memory_space<vmem>>, vector<1x16xf32>,
      %get3A_450 = vector.shape_cast %get3A_449 : vector<1x16xf32> to vector<16xf32>
      %add3A_451 = arith.addf %add3A_446, %get3A_450 : vector<16xf32>
      %mul3A_452 = vector.broadcast %scan3A_82 : f32 to vector<16xf32>
      %mul3A_453 = arith.mulf %add3A_451, %mul3A_452 : vector<16xf32>
      %swap3A_454 = arith.index_cast %scan3A_124 : i32 to index
      %swap3A_455 = arith.constant 240 : index
      %swap3A_456 = tpu.vector_load %arg14[%swap3A_454, %swap3A_455] {strides = array<i32>} : memref<64x256xf32, #tpu.memory_space<vmem>>, vector<1x16xf32>,
      %swap3A_457 = vector.shape_cast %swap3A_456 : vector<1x16xf32> to vector<16xf32>
      %swap3A_458 = vector.shape_cast %mul3A_453 : vector<16xf32> to vector<1x16xf32>
      tpu.vector_store %arg14[%swap3A_454, %swap3A_455], %swap3A_458 {strides = array<i32>} : memref<64x256xf32, #tpu.memory_space<vmem>>, vector<1x16xf32>,
    }
    %scan3A_87 = arith.constant 64 : i32
    %add3A_88 = arith.constant 4096 : i32
    %add3A_89 = arith.addi %add3A_88, %mul3A_2 : i32
    %add3A_90 = arith.constant 64 : i32
    %add3A_91 = arith.addi %add3A_89, %add3A_90 : i32
    %dma_start3A_92 = arith.constant 0 : i32
    %dma_start3A_93 = tpu.memref_slice %arg6[%add3A_91, %dma_start3A_92] : memref<8192x256xf32, #tpu.memory_space<hbm>> -> memref<64x256xf32, #tpu.memory_space<hbm>>
    %dma_start3A_94 = arith.constant 0 : i32
    %dma_start3A_95 = tpu.memref_slice %arg6[%add3A_91, %dma_start3A_94] : memref<8192x256xf32, #tpu.memory_space<hbm>> -> memref<64x256xf32, #tpu.memory_space<hbm>>
    tpu.enqueue_dma source(%arg14 : memref<64x256xf32, #tpu.memory_space<vmem>>) target(%dma_start3A_95 : memref<64x256xf32, #tpu.memory_space<hbm>>) target_semaphore(%arg20 : memref<!tpu.dma_semaphore, #tpu.memory_space<semaphore_mem>>)
    "tpu.region"() ({
      %run_scoped3A = tpu.sem_alloc : memref<!tpu.dma_semaphore, #tpu.memory_space<semaphore_mem>>
      %dma_start3A_124 = arith.constant 0 : i32
      %dma_start3A_125 = tpu.memref_slice %arg2[%mul3A_2, %dma_start3A_124] : memref<4096x256xf32, #tpu.memory_space<hbm>> -> memref<64x256xf32, #tpu.memory_space<hbm>>
      %dma_start3A_126 = arith.constant 0 : i32
      %dma_start3A_127 = tpu.memref_slice %arg2[%mul3A_2, %dma_start3A_126] : memref<4096x256xf32, #tpu.memory_space<hbm>> -> memref<64x256xf32, #tpu.memory_space<hbm>>
      tpu.enqueue_dma source(%dma_start3A_127 : memref<64x256xf32, #tpu.memory_space<hbm>>) target(%arg12 : memref<64x256xf32, #tpu.memory_space<vmem>>) target_semaphore(%run_scoped3A : memref<!tpu.dma_semaphore, #tpu.memory_space<semaphore_mem>>)
      %dma_wait3A_128 = arith.constant 0 : i32
      %dma_wait3A_129 = tpu.memref_slice %arg2[%mul3A_2, %dma_wait3A_128] : memref<4096x256xf32, #tpu.memory_space<hbm>> -> memref<64x256xf32, #tpu.memory_space<hbm>>
      %dma_wait3A_130 = arith.constant 0 : i32
      %dma_wait3A_131 = tpu.memref_slice %arg2[%mul3A_2, %dma_wait3A_130] : memref<4096x256xf32, #tpu.memory_space<hbm>> -> memref<64x256xf32, #tpu.memory_space<hbm>>
      tpu.wait_dma2 semaphore(%run_scoped3A : memref<!tpu.dma_semaphore, #tpu.memory_space<semaphore_mem>>) src(%dma_wait3A_131 : memref<64x256xf32, #tpu.memory_space<hbm>>) dst(%arg12 : memref<64x256xf32, #tpu.memory_space<vmem>>)
      tpu.yield
    }) : () -> ()
    %dma_start3A_96 = arith.constant 0 : i32
    %dma_start3A_97 = tpu.memref_slice %arg6[%mul3A_2, %dma_start3A_96] : memref<8192x256xf32, #tpu.memory_space<hbm>> -> memref<64x256xf32, #tpu.memory_space<hbm>>
    %dma_start3A_98 = arith.constant 0 : i32
    %dma_start3A_99 = tpu.memref_slice %arg6[%mul3A_2, %dma_start3A_98] : memref<8192x256xf32, #tpu.memory_space<hbm>> -> memref<64x256xf32, #tpu.memory_space<hbm>>
    tpu.enqueue_dma source(%arg12 : memref<64x256xf32, #tpu.memory_space<vmem>>) target(%dma_start3A_99 : memref<64x256xf32, #tpu.memory_space<hbm>>) target_semaphore(%arg21 : memref<!tpu.dma_semaphore, #tpu.memory_space<semaphore_mem>>)
    %add3A_100 = arith.constant 64 : i32
    %add3A_101 = arith.addi %mul3A_2, %add3A_100 : i32
    "tpu.region"() ({
      %run_scoped3A = tpu.sem_alloc : memref<!tpu.dma_semaphore, #tpu.memory_space<semaphore_mem>>
      %dma_start3A_124 = arith.constant 0 : i32
      %dma_start3A_125 = tpu.memref_slice %arg2[%add3A_101, %dma_start3A_124] : memref<4096x256xf32, #tpu.memory_space<hbm>> -> memref<64x256xf32, #tpu.memory_space<hbm>>
      %dma_start3A_126 = arith.constant 0 : i32
      %dma_start3A_127 = tpu.memref_slice %arg2[%add3A_101, %dma_start3A_126] : memref<4096x256xf32, #tpu.memory_space<hbm>> -> memref<64x256xf32, #tpu.memory_space<hbm>>
      tpu.enqueue_dma source(%dma_start3A_127 : memref<64x256xf32, #tpu.memory_space<hbm>>) target(%arg15 : memref<64x256xf32, #tpu.memory_space<vmem>>) target_semaphore(%run_scoped3A : memref<!tpu.dma_semaphore, #tpu.memory_space<semaphore_mem>>)
      %dma_wait3A_128 = arith.constant 0 : i32
      %dma_wait3A_129 = tpu.memref_slice %arg2[%add3A_101, %dma_wait3A_128] : memref<4096x256xf32, #tpu.memory_space<hbm>> -> memref<64x256xf32, #tpu.memory_space<hbm>>
      %dma_wait3A_130 = arith.constant 0 : i32
      %dma_wait3A_131 = tpu.memref_slice %arg2[%add3A_101, %dma_wait3A_130] : memref<4096x256xf32, #tpu.memory_space<hbm>> -> memref<64x256xf32, #tpu.memory_space<hbm>>
      tpu.wait_dma2 semaphore(%run_scoped3A : memref<!tpu.dma_semaphore, #tpu.memory_space<semaphore_mem>>) src(%dma_wait3A_131 : memref<64x256xf32, #tpu.memory_space<hbm>>) dst(%arg15 : memref<64x256xf32, #tpu.memory_space<vmem>>)
      tpu.yield
    }) : () -> ()
    %add3A_102 = arith.constant 64 : i32
    %add3A_103 = arith.addi %mul3A_2, %add3A_102 : i32
    %dma_start3A_104 = arith.constant 0 : i32
    %dma_start3A_105 = tpu.memref_slice %arg6[%add3A_103, %dma_start3A_104] : memref<8192x256xf32, #tpu.memory_space<hbm>> -> memref<64x256xf32, #tpu.memory_space<hbm>>
    %dma_start3A_106 = arith.constant 0 : i32
    %dma_start3A_107 = tpu.memref_slice %arg6[%add3A_103, %dma_start3A_106] : memref<8192x256xf32, #tpu.memory_space<hbm>> -> memref<64x256xf32, #tpu.memory_space<hbm>>
    tpu.enqueue_dma source(%arg15 : memref<64x256xf32, #tpu.memory_space<vmem>>) target(%dma_start3A_107 : memref<64x256xf32, #tpu.memory_space<hbm>>) target_semaphore(%arg21 : memref<!tpu.dma_semaphore, #tpu.memory_space<semaphore_mem>>)
    %dma_wait3A_108 = arith.constant 0 : i32
    %dma_wait3A_109 = tpu.memref_slice %arg6[%add3A_66, %dma_wait3A_108] : memref<8192x256xf32, #tpu.memory_space<hbm>> -> memref<64x256xf32, #tpu.memory_space<hbm>>
    %dma_wait3A_110 = arith.constant 0 : i32
    %dma_wait3A_111 = tpu.memref_slice %arg6[%add3A_66, %dma_wait3A_110] : memref<8192x256xf32, #tpu.memory_space<hbm>> -> memref<64x256xf32, #tpu.memory_space<hbm>>
    tpu.wait_dma2 semaphore(%arg20 : memref<!tpu.dma_semaphore, #tpu.memory_space<semaphore_mem>>) src(%arg11 : memref<64x256xf32, #tpu.memory_space<vmem>>) dst(%dma_wait3A_111 : memref<64x256xf32, #tpu.memory_space<hbm>>)
    %dma_wait3A_112 = arith.constant 0 : i32
    %dma_wait3A_113 = tpu.memref_slice %arg6[%add3A_91, %dma_wait3A_112] : memref<8192x256xf32, #tpu.memory_space<hbm>> -> memref<64x256xf32, #tpu.memory_space<hbm>>
    %dma_wait3A_114 = arith.constant 0 : i32
    %dma_wait3A_115 = tpu.memref_slice %arg6[%add3A_91, %dma_wait3A_114] : memref<8192x256xf32, #tpu.memory_space<hbm>> -> memref<64x256xf32, #tpu.memory_space<hbm>>
    tpu.wait_dma2 semaphore(%arg20 : memref<!tpu.dma_semaphore, #tpu.memory_space<semaphore_mem>>) src(%arg14 : memref<64x256xf32, #tpu.memory_space<vmem>>) dst(%dma_wait3A_115 : memref<64x256xf32, #tpu.memory_space<hbm>>)
    %dma_wait3A_116 = arith.constant 0 : i32
    %dma_wait3A_117 = tpu.memref_slice %arg6[%mul3A_2, %dma_wait3A_116] : memref<8192x256xf32, #tpu.memory_space<hbm>> -> memref<64x256xf32, #tpu.memory_space<hbm>>
    %dma_wait3A_118 = arith.constant 0 : i32
    %dma_wait3A_119 = tpu.memref_slice %arg6[%mul3A_2, %dma_wait3A_118] : memref<8192x256xf32, #tpu.memory_space<hbm>> -> memref<64x256xf32, #tpu.memory_space<hbm>>
    tpu.wait_dma2 semaphore(%arg21 : memref<!tpu.dma_semaphore, #tpu.memory_space<semaphore_mem>>) src(%arg12 : memref<64x256xf32, #tpu.memory_space<vmem>>) dst(%dma_wait3A_119 : memref<64x256xf32, #tpu.memory_space<hbm>>)
    %dma_wait3A_120 = arith.constant 0 : i32
    %dma_wait3A_121 = tpu.memref_slice %arg6[%add3A_103, %dma_wait3A_120] : memref<8192x256xf32, #tpu.memory_space<hbm>> -> memref<64x256xf32, #tpu.memory_space<hbm>>
    %dma_wait3A_122 = arith.constant 0 : i32
    %dma_wait3A_123 = tpu.memref_slice %arg6[%add3A_103, %dma_wait3A_122] : memref<8192x256xf32, #tpu.memory_space<hbm>> -> memref<64x256xf32, #tpu.memory_space<hbm>>
    tpu.wait_dma2 semaphore(%arg21 : memref<!tpu.dma_semaphore, #tpu.memory_space<semaphore_mem>>) src(%arg15 : memref<64x256xf32, #tpu.memory_space<vmem>>) dst(%dma_wait3A_123 : memref<64x256xf32, #tpu.memory_space<hbm>>)
    return
  }
}

module attributes {stable_mosaic.version = 14 : i64} {
  func.func @_tc_topk_body(%arg0: i32, %arg1: memref<1024x256xf32, #tpu.memory_space<vmem>>, %arg2: memref<4096x256xbf16, #tpu.memory_space<vmem>>, %arg3: memref<1x4096xf32, #tpu.memory_space<vmem>>, %arg4: memref<1024xi32, #tpu.memory_space<vmem>>, %arg5: memref<1024xi32, #tpu.memory_space<vmem>>, %arg6: memref<1024xi32, #tpu.memory_space<vmem>>) attributes {dimension_semantics = [#tpu.dimension_semantics<arbitrary>], iteration_bounds = array<i64: 4>, scalar_prefetch = 0 : i64, scratch_operands = 0 : i64, tpu.core_type = #tpu.core_type<tc>, window_params = [{transform_indices = @transform_0, window_bounds = array<i64: 1024, 256>}, {pipeline_mode = #tpu.pipeline_mode<synchronous>, transform_indices = @transform_1, window_bounds = array<i64: 4096, 256>}, {pipeline_mode = #tpu.pipeline_mode<synchronous>, transform_indices = @transform_2, window_bounds = array<i64: 1, 4096>}, {transform_indices = @transform_3, window_bounds = array<i64: 1024>}, {transform_indices = @transform_4, window_bounds = array<i64: 1024>}, {transform_indices = @transform_5, window_bounds = array<i64: 1024>}]} {
    %get3A = arith.constant 0 : index
    %get3A_0 = arith.constant 0 : index
    %get3A_1 = vector.load %arg2[%get3A, %get3A_0] : memref<4096x256xbf16, #tpu.memory_space<vmem>>, vector<4096x256xbf16>
    %get3A_2 = arith.constant 0 : index
    %get3A_3 = arith.constant 0 : index
    %get3A_4 = vector.load %arg3[%get3A_2, %get3A_3] : memref<1x4096xf32, #tpu.memory_space<vmem>>, vector<1x4096xf32>
    %get3A_5 = arith.constant 0 : index
    %get3A_6 = arith.constant 0 : index
    %get3A_7 = vector.load %arg1[%get3A_5, %get3A_6] : memref<1024x256xf32, #tpu.memory_space<vmem>>, vector<1024x256xf32>
    %convert_element_type3A = arith.truncf %get3A_7 : vector<1024x256xf32> to vector<1024x256xbf16>
    %dot_general3A = arith.constant dense<0.000000e+00> : vector<1024x4096xf32>
    %dot_general3A_8 = tpu.matmul %convert_element_type3A, %get3A_1, %dot_general3A {dimension_numbers = #tpu.dot_dimension_numbers<[1], [1], [0], [0], [0, 0, 1, 0], [], []>, transpose_lhs_hint = false} : vector<1024x256xbf16>, vector<4096x256xbf16>, vector<1024x4096xf32> -> vector<1024x4096xf32>
    %mul3A = arith.mulf %get3A_7, %get3A_7 : vector<1024x256xf32>
    %reduce_sum3A = arith.constant dense<0.000000e+00> : vector<1024xf32>
    %reduce_sum3A_9 = vector.multi_reduction <add>, %mul3A, %reduce_sum3A [1] : vector<1024x256xf32> to vector<1024xf32>
    %broadcast_in_dim3A = vector.shape_cast %reduce_sum3A_9 : vector<1024xf32> to vector<1024x1xf32>
    %mul3A_10 = arith.constant 2.000000e+00 : f32
    %mul3A_11 = vector.broadcast %mul3A_10 : f32 to vector<1024x4096xf32>
    %mul3A_12 = arith.mulf %mul3A_11, %dot_general3A_8 : vector<1024x4096xf32>
    %sub3A = vector.broadcast %broadcast_in_dim3A : vector<1024x1xf32> to vector<1024x4096xf32>
    %sub3A_13 = arith.subf %sub3A, %mul3A_12 : vector<1024x4096xf32>
    %add3A = vector.broadcast %get3A_4 : vector<1x4096xf32> to vector<1024x4096xf32>
    %add3A_14 = arith.addf %sub3A_13, %add3A : vector<1024x4096xf32>
    %get3A_15 = arith.constant 0 : index
    %get3A_16 = vector.load %arg4[%get3A_15] : memref<1024xi32, #tpu.memory_space<vmem>>, vector<1024xi32>
    %iota3A = tpu.iota {dimensions = array<i32: 1>} : vector<1024x4096xi32>
    %convert_element_type3A_17 = arith.sitofp %iota3A : vector<1024x4096xi32> to vector<1024x4096xf32>
    %broadcast_in_dim3A_18 = vector.shape_cast %get3A_16 : vector<1024xi32> to vector<1024x1xi32>
    %convert_element_type3A_19 = arith.sitofp %broadcast_in_dim3A_18 : vector<1024x1xi32> to vector<1024x1xf32>
    %eq3A = vector.broadcast %convert_element_type3A_19 : vector<1024x1xf32> to vector<1024x4096xf32>
    %eq3A_20 = arith.cmpf oeq, %convert_element_type3A_17, %eq3A : vector<1024x4096xf32>
    %jit3A = arith.constant 0x7F800000 : f32
    %broadcast_in_dim3A_21 = vector.broadcast %jit3A : f32 to vector<1024x4096xf32>
    %select_n3A = arith.select %eq3A_20, %broadcast_in_dim3A_21, %add3A_14 : vector<1024x4096xi1>, vector<1024x4096xf32>
    %reduce_min3A = arith.constant dense<0x7F800000> : vector<1024xf32>
    %reduce_min3A_22 = vector.multi_reduction <minimumf>, %select_n3A, %reduce_min3A [1] : vector<1024x4096xf32> to vector<1024xf32>
    %broadcast_in_dim3A_23 = vector.shape_cast %reduce_min3A_22 : vector<1024xf32> to vector<1024x1xf32>
    %eq3A_24 = vector.broadcast %broadcast_in_dim3A_23 : vector<1024x1xf32> to vector<1024x4096xf32>
    %eq3A_25 = arith.cmpf oeq, %select_n3A, %eq3A_24 : vector<1024x4096xf32>
    %jit3A_26 = arith.constant 4.096000e+03 : f32
    %broadcast_in_dim3A_27 = vector.broadcast %jit3A_26 : f32 to vector<1024x4096xf32>
    %select_n3A_28 = arith.select %eq3A_25, %convert_element_type3A_17, %broadcast_in_dim3A_27 : vector<1024x4096xi1>, vector<1024x4096xf32>
    %reduce_min3A_29 = arith.constant dense<0x7F800000> : vector<1024xf32>
    %reduce_min3A_30 = vector.multi_reduction <minimumf>, %select_n3A_28, %reduce_min3A_29 [1] : vector<1024x4096xf32> to vector<1024xf32>
    %broadcast_in_dim3A_31 = vector.shape_cast %reduce_min3A_30 : vector<1024xf32> to vector<1024x1xf32>
    %squeeze3A = vector.shape_cast %broadcast_in_dim3A_31 : vector<1024x1xf32> to vector<1024xf32>
    %convert_element_type3A_32 = arith.fptosi %squeeze3A : vector<1024xf32> to vector<1024xi32>
    %swap3A = arith.constant 0 : index
    %swap3A_33 = vector.load %arg5[%swap3A] : memref<1024xi32, #tpu.memory_space<vmem>>, vector<1024xi32>
    tpu.vector_store %arg5[%swap3A], %convert_element_type3A_32 {strides = array<i32>} : memref<1024xi32, #tpu.memory_space<vmem>>, vector<1024xi32>,
    %eq3A_34 = vector.broadcast %broadcast_in_dim3A_31 : vector<1024x1xf32> to vector<1024x4096xf32>
    %eq3A_35 = arith.cmpf oeq, %convert_element_type3A_17, %eq3A_34 : vector<1024x4096xf32>
    %jit3A_36 = arith.constant 0x7F800000 : f32
    %broadcast_in_dim3A_37 = vector.broadcast %jit3A_36 : f32 to vector<1024x4096xf32>
    %select_n3A_38 = arith.select %eq3A_35, %broadcast_in_dim3A_37, %select_n3A : vector<1024x4096xi1>, vector<1024x4096xf32>
    %reduce_min3A_39 = arith.constant dense<0x7F800000> : vector<1024xf32>
    %reduce_min3A_40 = vector.multi_reduction <minimumf>, %select_n3A_38, %reduce_min3A_39 [1] : vector<1024x4096xf32> to vector<1024xf32>
    %broadcast_in_dim3A_41 = vector.shape_cast %reduce_min3A_40 : vector<1024xf32> to vector<1024x1xf32>
    %eq3A_42 = vector.broadcast %broadcast_in_dim3A_41 : vector<1024x1xf32> to vector<1024x4096xf32>
    %eq3A_43 = arith.cmpf oeq, %select_n3A_38, %eq3A_42 : vector<1024x4096xf32>
    %jit3A_44 = arith.constant 4.096000e+03 : f32
    %broadcast_in_dim3A_45 = vector.broadcast %jit3A_44 : f32 to vector<1024x4096xf32>
    %select_n3A_46 = arith.select %eq3A_43, %convert_element_type3A_17, %broadcast_in_dim3A_45 : vector<1024x4096xi1>, vector<1024x4096xf32>
    %reduce_min3A_47 = arith.constant dense<0x7F800000> : vector<1024xf32>
    %reduce_min3A_48 = vector.multi_reduction <minimumf>, %select_n3A_46, %reduce_min3A_47 [1] : vector<1024x4096xf32> to vector<1024xf32>
    %broadcast_in_dim3A_49 = vector.shape_cast %reduce_min3A_48 : vector<1024xf32> to vector<1024x1xf32>
    %squeeze3A_50 = vector.shape_cast %broadcast_in_dim3A_49 : vector<1024x1xf32> to vector<1024xf32>
    %convert_element_type3A_51 = arith.fptosi %squeeze3A_50 : vector<1024xf32> to vector<1024xi32>
    %swap3A_52 = arith.constant 0 : index
    %swap3A_53 = vector.load %arg6[%swap3A_52] : memref<1024xi32, #tpu.memory_space<vmem>>, vector<1024xi32>
    tpu.vector_store %arg6[%swap3A_52], %convert_element_type3A_51 {strides = array<i32>} : memref<1024xi32, #tpu.memory_space<vmem>>, vector<1024xi32>,
    return
  }
  func.func @transform_0(%arg0: i32) -> (i32, i32) {
    %c0_i32 = arith.constant 0 : i32
    %c0_i32_0 = arith.constant 0 : i32
    return %arg0, %c0_i32 : i32, i32
  }
  func.func @transform_1(%arg0: i32) -> (i32, i32) {
    %c0_i32 = arith.constant 0 : i32
    %c0_i32_0 = arith.constant 0 : i32
    %c0_i32_1 = arith.constant 0 : i32
    return %c0_i32, %c0_i32_0 : i32, i32
  }
  func.func @transform_2(%arg0: i32) -> (i32, i32) {
    %c0_i32 = arith.constant 0 : i32
    %c0_i32_0 = arith.constant 0 : i32
    %c0_i32_1 = arith.constant 0 : i32
    return %c0_i32, %c0_i32_0 : i32, i32
  }
  func.func @transform_3(%arg0: i32) -> i32 {
    %c0_i32 = arith.constant 0 : i32
    return %arg0 : i32
  }
  func.func @transform_4(%arg0: i32) -> i32 {
    %c0_i32 = arith.constant 0 : i32
    return %arg0 : i32
  }
  func.func @transform_5(%arg0: i32) -> i32 {
    %c0_i32 = arith.constant 0 : i32
    return %arg0 : i32
  }
}

</mosaic_0001>

<sc_bundles>
// kernel: kernel.5.cloned.1.call-start
scs
__scs_entry_jumppad:
0x0: {  	(pc) =	sbr.rel $0x88, $3  }
0x1: {  	(tag) =	ssettag $0x0;
	lr =	simm.s32 $0x1  }
0x2: {  	[smem:$0x3F9F] =	sst lr;
	_ =	strace $0xD0000000  }
0x3: {  	_ = 	snop  }
0x4: {  	_ = 	snop  }
0x5: {  	_ = 	snop  }
0x6: {  	_ = 	snop  }
0x7: {  	_ = 	snop  }
__scs_overlays_trampoline_lowered:
0x8: {  	[smem:$0x3FAE] =	sst s0  }
0x9: {  	[smem:$0x3FAF] =	sst s1  }
0xa: {  	[smem:$0x3FB0] =	sst s2  }
0xb: {  	[smem:$0x3FB1] =	sst s3  }
0xc: {  	[smem:$0x3FB2] =	sst s4  }
0xd: {  	[smem:$0x3FB3] =	sst s5  }
0xe: {  	[smem:$0x3FB4] =	sst s6  }
0xf: {  	[smem:$0x3FB5] =	sst s7  }
0x10: {  	[smem:$0x3FB6] =	sst s8  }
0x11: {  	[smem:$0x3FB7] =	sst s9;
	s0 =	simm.s32 @!p0 $0x0  }
0x12: {  	s1 =	sld [smem:$0x3F9D];
	s0 =	simm.s32 @p0 $0x1  }
0x13: {  	[smem:$0x3FB8] =	sst s0;
	s0 =	simm.s32 @!p1 $0x0  }
0x14: {  	s2 =	sld [smem:$0x3F9C];
	s0 =	simm.s32 @p1 $0x1  }
0x15: {  	[smem:$0x3FB9] =	sst s0;
	s0 =	simm.s32 @!p2 $0x0  }
0x16: {  	s3 =	sld [smem:$0x3FDB];
	s0 =	simm.s32 @p2 $0x1  }
0x17: {  	s4 =	simm.s32 $0x1BF5;
	[smem:$0x3FBB] =	sst s0  }
0x18: {  	s0 =	sld [smem:$0x3F9E];
	_ =	swait.ge [sflag:s4], $0x0  }
0x19: {  	s7 =	sld [smem:$0x3F9F]  }
0x1a: {  	s8 =	sadd.s32 $0xFFFFE003, lr  }
0x1b: {  	s9 =	sadd.s32 $0xFFFFFEF7, lr;
	s5 =	simm.s32 $0xFFFFFFFF;
	p2 =	slt.u32 s8, $0xFFFFF086  }
0x1c: {  	p1 =	slt.u32 s9, $0xF7A;
	s5 =	simm.s32 @!p2 $0x0  }
0x1d: {  	s5 =	simm.s32 @p1 $0x1;
	p0 =	seq.s32 s7, s2  }
0x1e: {  	s7 =	smul.u32 @!p0 $0xF7A, s2;
	p2 =	seq.s32 @!p0 s5, $0x0  }
0x1f: {  	s9 =	smul.u32 $0xF7A, s1;
	s8 =	simm.s32 @!p0 $0x1BF5;
	p2 =	por !p2, p0  }
0x20: {  	[sflag:s8] =	ssyncset.s32 @!p0 $0xFFFFF086;
	s6 =	sadd.s32 @!p0 s3, s7;
	s7 =	simm.s32 @!p0 $0x108  }
0x21: {  	s3 =	sadd.s32 s3, s9;
	s6 =	sadd.s32 @!p0 $0x88, s6;
	s7 =	simm.s32 @p2 $0x1082  }
0x22: {  	[simem:s7], [sflag:s8] =	dma.local @!p0 [hbm:s6], $0xF7A  }
0x23: {  	s9 =	sor.u32 $0xD0000000, s2;
	s6 =	simm.s32 $0x108;
	_ =	swait.ge @!p0 [sflag:s8], $0x0  }
0x24: {  	s3 =	sadd.s32 $0x88, s3;
	s6 =	simm.s32 @!p1 $0x1082;
	[sflag:s4] =	ssyncset.s32 $0xFFFFF086  }
0x25: {  	[simem:s6], [sflag:s4] =	dma.local [hbm:s3], $0xF7A  }
0x26: {  	[smem:$0x3F9F] =	sst s1;
	(tag) =	ssettag s2;
	_ =	strace s9  }
0x27: {  	s1 =	sld [smem:$0x3FAF]  }
0x28: {  	s2 =	sld [smem:$0x3FB0]  }
0x29: {  	s4 =	sld [smem:$0x3FB2]  }
0x2a: {  	p0 =	seq.s32 s5, $0x0;
	s5 =	sld [smem:$0x3FB3]  }
0x2b: {  	s6 =	sld [smem:$0x3FB4]  }
0x2c: {  	s7 =	sld [smem:$0x3FB5]  }
0x2d: {  	s3 =	simm.s32 $0x108;
	s8 =	sld [smem:$0x3FB6]  }
0x2e: {  	s3 =	simm.s32 @!p0 $0x1082;
	s9 =	sld [smem:$0x3FB7]  }
0x2f: {  	lr =	sadd.s32 s0, s3;
	s0 =	sld [smem:$0x3FAE]  }
0x30: {  	s3 =	sld [smem:$0x3FB1]  }
0x31: {  	[smem:$0x3FBA] =	sst s10  }
0x32: {  	s10 =	sld [smem:$0x3FB8];
	_ =	sdelay $0x3  }
0x33: {  	p0 =	seq.s32 s10, $0x1;
	s10 =	sld [smem:$0x3FBA];
	_ =	sdelay $0x3  }
0x34: {  	[smem:$0x3FBA] =	sst s10  }
0x35: {  	s10 =	sld [smem:$0x3FB9];
	_ =	sdelay $0x3  }
0x36: {  	p1 =	seq.s32 s10, $0x1;
	s10 =	sld [smem:$0x3FBA];
	_ =	sdelay $0x3  }
0x37: {  	[smem:$0x3FBA] =	sst s10  }
0x38: {  	s10 =	sld [smem:$0x3FBB]  }
0x39: {  	_ = 	snop;
	(pc) =	sbr.ind lr, $3  }
0x3a: {  	_ = 	snop  }
0x3b: {  	_ = 	snop  }
0x3c: {  	p2 =	seq.s32 s10, $0x1;
	s10 =	sld [smem:$0x3FBA]  }
0x3d: {  	_ =	shalt  }
0x3e: {  	_ =	shalt  }
0x3f: {  	_ =	shalt  }
0x40: {  	_ =	shalt  }
0x41: {  	_ =	shalt  }
0x42: {  	_ =	shalt  }
0x43: {  	_ =	shalt  }
0x44: {  	_ =	shalt  }
0x45: {  	_ =	shalt  }
0x46: {  	_ =	shalt  }
0x47: {  	_ =	shalt  }
0x48: {  	_ =	shalt  }
0x49: {  	_ =	shalt  }
0x4a: {  	_ =	shalt  }
0x4b: {  	_ =	shalt  }
0x4c: {  	_ =	shalt  }
0x4d: {  	_ =	shalt  }
0x4e: {  	_ =	shalt  }
0x4f: {  	_ =	shalt  }
0x50: {  	_ =	shalt  }
0x51: {  	_ =	shalt  }
0x52: {  	_ =	shalt  }
0x53: {  	_ =	shalt  }
0x54: {  	_ =	shalt  }
0x55: {  	_ =	shalt  }
0x56: {  	_ =	shalt  }
0x57: {  	_ =	shalt  }
0x58: {  	_ =	shalt  }
0x59: {  	_ =	shalt  }
0x5a: {  	_ =	shalt  }
0x5b: {  	_ =	shalt  }
0x5c: {  	_ =	shalt  }
0x5d: {  	_ =	shalt  }
0x5e: {  	_ =	shalt  }
0x5f: {  	_ =	shalt  }
0x60: {  	_ =	shalt  }
0x61: {  	_ =	shalt  }
0x62: {  	_ =	shalt  }
0x63: {  	_ =	shalt  }
0x64: {  	_ =	shalt  }
0x65: {  	_ =	shalt  }
0x66: {  	_ =	shalt  }
0x67: {  	_ =	shalt  }
0x68: {  	_ =	shalt  }
0x69: {  	_ =	shalt  }
0x6a: {  	_ =	shalt  }
0x6b: {  	_ =	shalt  }
0x6c: {  	_ =	shalt  }
0x6d: {  	_ =	shalt  }
0x6e: {  	_ =	shalt  }
0x6f: {  	_ =	shalt  }
0x70: {  	_ =	shalt  }
0x71: {  	_ =	shalt  }
0x72: {  	_ =	shalt  }
0x73: {  	_ =	shalt  }
0x74: {  	_ =	shalt  }
0x75: {  	_ =	shalt  }
0x76: {  	_ =	shalt  }
0x77: {  	_ =	shalt  }
0x78: {  	_ =	shalt  }
0x79: {  	_ =	shalt  }
0x7a: {  	_ =	shalt  }
0x7b: {  	_ =	shalt  }
0x7c: {  	_ =	shalt  }
0x7d: {  	_ =	shalt  }
0x7e: {  	_ =	shalt  }
0x7f: {  	_ =	shalt  }
0x80: {  	_ =	shalt  }
0x81: {  	_ =	shalt  }
0x82: {  	_ =	shalt  }
0x83: {  	_ =	shalt  }
0x84: {  	_ =	shalt  }
0x85: {  	_ =	shalt  }
0x86: {  	_ =	shalt  }
0x87: {  	_ =	shalt  }
.Lfunc_end0:
.L_simem_size_0:
called_computation_lowered:
.L_overlay_start_0:
0x88: {  	s2 =	sld [smem:$0x3FD9]  }
0x89: {  	s3 =	sld [smem:$0x3FFE];
	_ =	sdelay $0x1  }
0x8a: {  	s1 =	srdreg.scid  }
0x8b: {  	s0 =	sand.u32 $0x1, s1  }
0x8c: {  	s17 =	sshll.u32 s0, $0xA;
	s2 =	sadd.s32 s3, s2  }
0x8d: {  	s2 =	sadd.s32 s2, s17  }
0x8e: {  	[smem:$0x3FC6] =	sst s2  }
0x8f: {  	_ = 	snop  }
0x90: {  	s2 =	sld [smem:$0x3FC9]  }
0x91: {  	s18 =	sld [smem:$0x3FC8];
	(tm) =	ssettm $0x1  }
0x92: {  	s4 =	sld [smem:$0x3FFB];
	_ =	sdelay $0x3  }
0x93: {  	_ =	strace s4  }
0x94: {  	s4 =	sld [smem:$0x3FFC];
	_ =	sdelay $0x3  }
0x95: {  	_ =	strace s4  }
0x96: {  	s4 =	sld [smem:$0x3FFD];
	_ =	sdelay $0x3  }
0x97: {  	_ =	strace s4  }
0x98: {  	_ =	strace $0x8FFFFFFF  }
0x99: {  	s19 =	sld [smem:$0x3FDB];
	_ =	sdelay $0x1  }
0x9a: {  	s5 =	simm.s32 $_scs_section_size  }
0x9b: {  	s6 =	simm.s32 $_size__tile_overlayer_lowered;
	s7 =	simm.s32 $_tile_overlayer_lowered  }
0x9c: {  	s22 =	simm.s32 $0x1BFF;
	s21 =	sshll.u32 s7, $0x1;
	s4 =	sadd.s32 s5, s19  }
0x9d: {  	s8 =	simm.s32 $0x0;
	s20 =	sshll.u32 s6, $0x1;
	s6 =	sadd.s32 s21, s4  }
0x9e: {  	[timem:s8], [sflag:s22] =	dma.local [hbm:s6], s20  }
0x9f: {  	_ =	swait.ge [sflag:s22], s20  }
0xa0: {  	s5 =	ssub.s32 $0x0, s20;
	[sflag:s22] =	ssyncset.done $0x0  }
0xa1: {  	[sflag:s22] =	ssyncadd.s32 s5;
	_ =	sdelay $0x1  }
0xa2: {  	s23 =	simm.s32 $0x1B8B  }
0xa3: {  	_ =	swait.ge [sflag:s23], $0x1  }
0xa4: {  	[sflag:s23] =	ssyncset.done $0x0  }
0xa5: {  	s25 =	simm.s32 $0x1B8E;
	s24 =	sld [smem:$0x3FFE];
	[sflag:s23] =	ssyncadd.s32 $0xFFFFFFFF  }
0xa6: {  	s26 =	simm.s32 $execute0_lowered;
	[smem:$0x3FD2] =	sst s25  }
0xa7: {  	s6 =	sshll.u32 s26, $0x1;
	_ =	strace $0x80000046;
	[dreg:$0x1] =	wrdreg $0xFFFFFFFF  }
0xa8: {  	s28 =	simm.s32 $_size_execute0_lowered;
	s4 =	sadd.s32 s4, s6;
	[dreg:$0x0] =	wrdreg $0x0  }
0xa9: {  	s6 =	sshll.u32 s28, $0x1;
	[dreg:$0x2] =	wrdreg s4  }
0xaa: {  	[dreg:$0x3] =	wrdreg s6  }
0xab: {  	[dreg:$0x4] =	wrdreg $0xC0  }
0xac: {  	_ =	task [dreg:s8], $0x5FFFF  }
0xad: {  	[dreg:$0x1] =	wrdreg $0xFFFFFFFF  }
0xae: {  	[dreg:$0x0] =	wrdreg $0x60  }
0xaf: {  	[dreg:$0x2] =	wrdreg s2  }
0xb0: {  	[dreg:$0x3] =	wrdreg s18  }
0xb1: {  	[dreg:$0x4] =	wrdreg s24  }
0xb2: {  	[dreg:$0x5] =	wrdreg $0x9  }
0xb3: {  	_ =	task.clear_ibuf [dreg:s8], $0x6FFFF;
	_ =	strace $0x90000046  }
0xb4: {  	s29 =	simm.s32 $0x9;
	_ =	strace $0x80000048  }
0xb5: {  	_ =	swait.ge [sflag:s29], $0x1  }
0xb6: {  	[sflag:s29] =	ssyncadd.s32 $0xFFFFFFFF  }
0xb7: {  	_ =	strace $0x90000048  }
0xb8: {  	_ =	sfence  }
0xb9: {  	s30 =	sld [smem:$0x0];
	_ =	sdelay $0x2  }
0xba: {  	s31 =	sshll.u32 s1, $0xD;
	s1 =	sshrl.u32 s1, $0x2  }
0xbb: {  	s3 =	sand.u32 $0x4000, s31;
	s1 =	sadd.s32 s1, s30  }
0xbc: {  	s0 =	sor.u32 s3, s0;
	s1 =	sshll.u32 s1, $0x11  }
0xbd: {  	s0 =	sor.u32 s1, s0  }
0xbe: {  	s0 =	sadd.s32 $0x8F2B, s0  }
0xbf: {  	[sflag:s0] =	ssyncadd.remote.s32 $0x1  }
0xc0: {  	_ =	sfence.sel $0xFFFF  }
0xc1: {  	[dreg:$0x0] =	wrdreg $0xFFFFFFFF;
	(pc) =	sbr.abs _section_cstart, $3  }
0xc2: {  	[dreg:$0x1] =	wrdreg $0xFFFFFFFF  }
0xc3: {  	_ =	task.clear_ibuf [dreg:s8], $0x2FFFF;
	_ =	strace $0x9FFFFFFF  }
0xc4: {  	(tm) =	ssettm $0x7FFFFFFF  }
0xc5: {  	_ =	shalt  }
tec
execute0_lowered:
.L_overlay_start_1:
0x0: {  	(tag) =	ssettag $0x1  }
0x1: {  	s1 =	rddreg [dreg:$0x0]  }
0x2: {  	s4 =	rddreg [dreg:$0x1]  }
0x3: {  	s5 =	rddreg [dreg:$0x2];
	s3 =	srdreg.scid  }
0x4: {  	s0 =	rddreg [dreg:$0x3];
	s2 =	stileid.u32;
	s10 =	simm.s32 $0x1080  }
0x5: {  	s11 =	simm.s32 $0x1880;
	s12 =	simm.s32 $0x2080;
	s13 =	simm.s32 $0x2880  }
0x6: {  	s14 =	simm.s32 $0x3080;
	s15 =	simm.s32 $0x3880;
	s16 =	simm.s32 $0x4080  }
0x7: {  	s17 =	simm.s32 $0x4880;
	s18 =	simm.s32 $0x5080;
	s19 =	simm.s32 $0x5880  }
0x8: {  	s20 =	simm.s32 $0x6080;
	s21 =	simm.s32 $0x6880;
	s22 =	simm.s32 $0x7080  }
0x9: {  	s23 =	simm.s32 $0x7880;
	s24 =	simm.s32 $0x1;
	s6 =	sand.u32 $0x1, s3  }
0xa: {  	s3 =	simm.s32 $0x0;
	s7 =	sshll.u32 s2, $0x8;
	s8 =	sshll.u32 s6, $0x7  }
0xb: {  	[smem:$0x7FF] =	sst s3;
	s6 =	ssub.s32 $0x2, s6;
	s7 =	sor.u32 s8, s7  }
0xc: {  	_ =	strace $0x80000047;
	s9 =	sshrl.u32 s6, $0x1;
	s8 =	sshll.u32 s7, $0x5  }
0xd: {  	v2 =	vlaneseq.u32;
	s6 =	ssub.s32 s6, s9;
	s7 =	sshrl.u32 s7, $0x3;
	s9 =	simm.s32 $0x880  }
0xe: {  	vm0 =	vmmov $0xffff;
	v1 =	vshrl.u32 v2, $0x3;
	s5 =	sadd.s32 s8, s5;
	s4 =	sadd.s32 s4, s7;
	s6 =	smax.u32 s6, $0x1  }
0xf: {  	v0 =	vand.u32 $0x7, v2;
	v2 =	vor.u32 $0x8, v2;
	v1 =	vmul.u32 $0x8, v1;
	s7 =	simm.s32 $0x2;
	s8 =	simm.s32 $0x80;
	s5 =	sadd.s32 $0x1200, s5  }
.LBB2_1:
0x10: {  	[tilespmem:s3], [sflag:$0x2] =	stream.linear.gather [hbm4b:s4+s3], $0x80, $0x38;
	[tilespmem:$0x8080] =	vst v63  }
0x11: {  	_ =	swait.ge [sflag:s7], $0x80  }
0x12: {  	[sflag:s7] =	ssyncset.done $0x0  }
0x13: {  	[sflag:s7] =	ssyncadd.s32 $0xFFFFFF80  }
0x14: {  	v3 =	vld [tilespmem:$0x0];
	_ =	sdelay $0x4  }
0x15: {  	v4 =	vshll.u32 v3, $0x1  }
0x16: {  	v3 =	vand.u32 $0x7, v3;
	v4 =	vand.u32 $0xFFFFFFF0, v4  }
0x17: {  	v3 =	vor.u32 v3, v4  }
0x18: {  	v4 =	vperm.xlane v3, v0;
	_ =	sdelay $0x1  }
0x19: {  	v3 =	vperm.xlane v3, v2;
	v4 =	vadd.s32 v1, v4;
	_ =	sdelay $0x1  }
0x1a: {  	v3 =	vadd.s32 v1, v3;
	_ =	sdelay $0x2  }
0x1b: {  	[tilespmem:s8], [sflag:$0x1] =	stream.indirect_vreg.gather [hbm4b:s1+s3], $0x80, v4, vm0, $0xb8;
	[tilespmem:$0x8080] =	vst v63  }
0x1c: {  	_ = 	snop  }
0x1d: {  	[tilespmem:s9], [sflag:$0x1] =	stream.indirect_vreg.gather [hbm4b:s1+s3], $0x80, v3, vm0, $0xb8;
	[tilespmem:$0x8080] =	vst v63  }
0x1e: {  	v3 =	vld [tilespmem:$0x10];
	_ =	sdelay $0x4  }
0x1f: {  	v57 =	vshll.u32 v3, $0x1  }
0x20: {  	v3 =	vand.u32 $0x7, v3;
	v4 =	vand.u32 $0xFFFFFFF0, v57  }
0x21: {  	v3 =	vor.u32 v3, v4  }
0x22: {  	v4 =	vperm.xlane v3, v0;
	_ =	sdelay $0x1  }
0x23: {  	v3 =	vperm.xlane v3, v2;
	v4 =	vadd.s32 v1, v4;
	_ =	sdelay $0x1  }
0x24: {  	v3 =	vadd.s32 v1, v3;
	_ =	sdelay $0x2  }
0x25: {  	[tilespmem:s10], [sflag:$0x1] =	stream.indirect_vreg.gather [hbm4b:s1+s3], $0x80, v4, vm0, $0xb8;
	[tilespmem:$0x8080] =	vst v63  }
0x26: {  	_ = 	snop  }
0x27: {  	[tilespmem:s11], [sflag:$0x1] =	stream.indirect_vreg.gather [hbm4b:s1+s3], $0x80, v3, vm0, $0xb8;
	[tilespmem:$0x8080] =	vst v63  }
0x28: {  	v3 =	vld [tilespmem:$0x20];
	_ =	sdelay $0x4  }
0x29: {  	v58 =	vshll.u32 v3, $0x1  }
0x2a: {  	v3 =	vand.u32 $0x7, v3;
	v4 =	vand.u32 $0xFFFFFFF0, v58  }
0x2b: {  	v3 =	vor.u32 v3, v4  }
0x2c: {  	v4 =	vperm.xlane v3, v0;
	_ =	sdelay $0x1  }
0x2d: {  	v3 =	vperm.xlane v3, v2;
	v4 =	vadd.s32 v1, v4;
	_ =	sdelay $0x1  }
0x2e: {  	v3 =	vadd.s32 v1, v3;
	_ =	sdelay $0x2  }
0x2f: {  	[tilespmem:s12], [sflag:$0x1] =	stream.indirect_vreg.gather [hbm4b:s1+s3], $0x80, v4, vm0, $0xb8;
	[tilespmem:$0x8080] =	vst v63  }
0x30: {  	_ = 	snop  }
0x31: {  	[tilespmem:s13], [sflag:$0x1] =	stream.indirect_vreg.gather [hbm4b:s1+s3], $0x80, v3, vm0, $0xb8;
	[tilespmem:$0x8080] =	vst v63  }
0x32: {  	v3 =	vld [tilespmem:$0x30];
	_ =	sdelay $0x4  }
0x33: {  	v59 =	vshll.u32 v3, $0x1  }
0x34: {  	v3 =	vand.u32 $0x7, v3;
	v4 =	vand.u32 $0xFFFFFFF0, v59  }
0x35: {  	v3 =	vor.u32 v3, v4  }
0x36: {  	v4 =	vperm.xlane v3, v0;
	_ =	sdelay $0x1  }
0x37: {  	v3 =	vperm.xlane v3, v2;
	v4 =	vadd.s32 v1, v4;
	_ =	sdelay $0x1  }
0x38: {  	v3 =	vadd.s32 v1, v3;
	_ =	sdelay $0x2  }
0x39: {  	[tilespmem:s14], [sflag:$0x1] =	stream.indirect_vreg.gather [hbm4b:s1+s3], $0x80, v4, vm0, $0xb8;
	[tilespmem:$0x8080] =	vst v63  }
0x3a: {  	_ = 	snop  }
0x3b: {  	[tilespmem:s15], [sflag:$0x1] =	stream.indirect_vreg.gather [hbm4b:s1+s3], $0x80, v3, vm0, $0xb8;
	[tilespmem:$0x8080] =	vst v63  }
0x3c: {  	v3 =	vld [tilespmem:$0x40];
	_ =	sdelay $0x4  }
0x3d: {  	v60 =	vshll.u32 v3, $0x1  }
0x3e: {  	v3 =	vand.u32 $0x7, v3;
	v4 =	vand.u32 $0xFFFFFFF0, v60  }
0x3f: {  	v3 =	vor.u32 v3, v4  }
0x40: {  	v4 =	vperm.xlane v3, v0;
	_ =	sdelay $0x1  }
0x41: {  	v3 =	vperm.xlane v3, v2;
	v4 =	vadd.s32 v1, v4;
	_ =	sdelay $0x1  }
0x42: {  	v3 =	vadd.s32 v1, v3;
	_ =	sdelay $0x2  }
0x43: {  	[tilespmem:s16], [sflag:$0x1] =	stream.indirect_vreg.gather [hbm4b:s1+s3], $0x80, v4, vm0, $0xb8;
	[tilespmem:$0x8080] =	vst v63  }
0x44: {  	_ = 	snop  }
0x45: {  	[tilespmem:s17], [sflag:$0x1] =	stream.indirect_vreg.gather [hbm4b:s1+s3], $0x80, v3, vm0, $0xb8;
	[tilespmem:$0x8080] =	vst v63  }
0x46: {  	v3 =	vld [tilespmem:$0x50];
	_ =	sdelay $0x4  }
0x47: {  	v61 =	vshll.u32 v3, $0x1  }
0x48: {  	v3 =	vand.u32 $0x7, v3;
	v4 =	vand.u32 $0xFFFFFFF0, v61  }
0x49: {  	v3 =	vor.u32 v3, v4  }
0x4a: {  	v4 =	vperm.xlane v3, v0;
	_ =	sdelay $0x1  }
0x4b: {  	v3 =	vperm.xlane v3, v2;
	v4 =	vadd.s32 v1, v4;
	_ =	sdelay $0x1  }
0x4c: {  	v3 =	vadd.s32 v1, v3;
	_ =	sdelay $0x2  }
0x4d: {  	[tilespmem:s18], [sflag:$0x1] =	stream.indirect_vreg.gather [hbm4b:s1+s3], $0x80, v4, vm0, $0xb8;
	[tilespmem:$0x8080] =	vst v63  }
0x4e: {  	_ = 	snop  }
0x4f: {  	[tilespmem:s19], [sflag:$0x1] =	stream.indirect_vreg.gather [hbm4b:s1+s3], $0x80, v3, vm0, $0xb8;
	[tilespmem:$0x8080] =	vst v63  }
0x50: {  	v3 =	vld [tilespmem:$0x60];
	_ =	sdelay $0x4  }
0x51: {  	v62 =	vshll.u32 v3, $0x1  }
0x52: {  	v3 =	vand.u32 $0x7, v3;
	v4 =	vand.u32 $0xFFFFFFF0, v62  }
0x53: {  	v3 =	vor.u32 v3, v4  }
0x54: {  	v4 =	vperm.xlane v3, v0;
	_ =	sdelay $0x1  }
0x55: {  	v3 =	vperm.xlane v3, v2;
	v4 =	vadd.s32 v1, v4;
	_ =	sdelay $0x1  }
0x56: {  	v3 =	vadd.s32 v1, v3;
	_ =	sdelay $0x2  }
0x57: {  	[tilespmem:s20], [sflag:$0x1] =	stream.indirect_vreg.gather [hbm4b:s1+s3], $0x80, v4, vm0, $0xb8;
	[tilespmem:$0x8080] =	vst v63  }
0x58: {  	_ = 	snop  }
0x59: {  	[tilespmem:s21], [sflag:$0x1] =	stream.indirect_vreg.gather [hbm4b:s1+s3], $0x80, v3, vm0, $0xb8;
	[tilespmem:$0x8080] =	vst v63  }
0x5a: {  	v3 =	vld [tilespmem:$0x70];
	_ =	sdelay $0x4  }
0x5b: {  	v63 =	vshll.u32 v3, $0x1  }
0x5c: {  	v3 =	vand.u32 $0x7, v3;
	v4 =	vand.u32 $0xFFFFFFF0, v63  }
0x5d: {  	v3 =	vor.u32 v3, v4  }
0x5e: {  	v4 =	vperm.xlane v3, v0;
	_ =	sdelay $0x1  }
0x5f: {  	v3 =	vperm.xlane v3, v2;
	v4 =	vadd.s32 v1, v4;
	_ =	sdelay $0x1  }
0x60: {  	v3 =	vadd.s32 v1, v3;
	_ =	sdelay $0x2  }
0x61: {  	[tilespmem:s22], [sflag:$0x1] =	stream.indirect_vreg.gather [hbm4b:s1+s3], $0x80, v4, vm0, $0xb8;
	[tilespmem:$0x8080] =	vst v63  }
0x62: {  	_ = 	snop  }
0x63: {  	[tilespmem:s23], [sflag:$0x1] =	stream.indirect_vreg.gather [hbm4b:s1+s3], $0x80, v3, vm0, $0xb8;
	[tilespmem:$0x8080] =	vst v63  }
0x64: {  	_ =	swait.ge [sflag:s24], $0x8000  }
0x65: {  	p0 =	sne.s32 s6, $0x1;
	[sflag:s24] =	ssyncset.done $0x0  }
.Ltmp0:
0x66: {  	[sflag:s24] =	ssyncadd.s32 $0xFFFF8000;
	(pc) =	sbr.rel @p0 .LBB2_1-.Ltmp0, $4  }
0x67: {  	[hbm4b:s5+s3] =	stream.linear.scatter [tilespmem:s8], [sflag:$0x2], $0x8000, $0x38;
	[tilespmem:$0x8080] =	vst v63  }
0x68: {  	_ =	swait.ge [sflag:s7], $0x8000  }
0x69: {  	[sflag:s7] =	ssyncset.done $0x0  }
0x6a: {  	s6 =	sadd.s32 $0xFFFFFFFF, s6;
	[sflag:s7] =	ssyncadd.s32 $0xFFFF8000  }
0x6b: {  	_ =	sfence.sel $0x180000  }
0x6c: {  	[bflag:$0x0] =	sbarrier.arrive $0xFFFF  }
0x6d: {  	p0 =	sne.s32 s2, $0x0;
	_ =	strace $0x90000047  }
0x6e: {  	s0 =	sadd.s32 @!p0 $0x100000, s0;
	[bflag:$0x2] =	sbarrier.arrive $0xFFFF  }
0x6f: {  	[sflag:s0] =	ssyncadd.tile.s32 @!p0 $0x1;
	_ =	shalt  }
.Lfunc_end2:
_tile_overlayer_lowered:
.L_overlay_start_2:
0x70: {  	(tag) =	ssettag $0x2  }
0x71: {  	s0 =	rddreg [dreg:$0x0];
	s2 =	stileid.u32  }
0x72: {  	s1 =	rddreg [dreg:$0x1];
	p0 =	sne.s32 s2, $0x0  }
0x73: {  	s3 =	rddreg [dreg:$0x2];
	[bflag:$0x3] =	sbarrier.arrive $0xFFFF;
	s2 =	simm.s32 @!p0 $0x1C02  }
0x74: {  	[timem:s3], [sflag:s2] =	dma.local @!p0 [hbm:s0], s1  }
0x75: {  	s0 =	simm.s32 @!p0 $0x2  }
0x76: {  	_ =	swait.ge @!p0 [sflag:s0], s1  }
0x77: {  	s1 =	ssub.s32 @!p0 $0x0, s1;
	[sflag:s0] =	ssyncset.done @!p0 $0x0  }
0x78: {  	[sflag:s0] =	ssyncadd.s32 @!p0 s1  }
0x79: {  	[bflag:$0x3] =	sbarrier.arrive $0xFFFF  }
0x7a: {  	_ =	shalt  }

// kernel: kernel.8.cloned.1.call-start
scs
__scs_entry_jumppad:
0x0: {  	(pc) =	sbr.rel $0x88, $3  }
0x1: {  	(tag) =	ssettag $0x0;
	lr =	simm.s32 $0x1  }
0x2: {  	[smem:$0x3F9F] =	sst lr;
	_ =	strace $0xD0000000  }
0x3: {  	_ = 	snop  }
0x4: {  	_ = 	snop  }
0x5: {  	_ = 	snop  }
0x6: {  	_ = 	snop  }
0x7: {  	_ = 	snop  }
__scs_overlays_trampoline_lowered:
0x8: {  	[smem:$0x3FAE] =	sst s0  }
0x9: {  	[smem:$0x3FAF] =	sst s1  }
0xa: {  	[smem:$0x3FB0] =	sst s2  }
0xb: {  	[smem:$0x3FB1] =	sst s3  }
0xc: {  	[smem:$0x3FB2] =	sst s4  }
0xd: {  	[smem:$0x3FB3] =	sst s5  }
0xe: {  	[smem:$0x3FB4] =	sst s6  }
0xf: {  	[smem:$0x3FB5] =	sst s7  }
0x10: {  	[smem:$0x3FB6] =	sst s8  }
0x11: {  	[smem:$0x3FB7] =	sst s9;
	s0 =	simm.s32 @!p0 $0x0  }
0x12: {  	s1 =	sld [smem:$0x3F9D];
	s0 =	simm.s32 @p0 $0x1  }
0x13: {  	[smem:$0x3FB8] =	sst s0;
	s0 =	simm.s32 @!p1 $0x0  }
0x14: {  	s2 =	sld [smem:$0x3F9C];
	s0 =	simm.s32 @p1 $0x1  }
0x15: {  	[smem:$0x3FB9] =	sst s0;
	s0 =	simm.s32 @!p2 $0x0  }
0x16: {  	s3 =	sld [smem:$0x3FDB];
	s0 =	simm.s32 @p2 $0x1  }
0x17: {  	s4 =	simm.s32 $0x1BF5;
	[smem:$0x3FBB] =	sst s0  }
0x18: {  	s0 =	sld [smem:$0x3F9E];
	_ =	swait.ge [sflag:s4], $0x0  }
0x19: {  	s7 =	sld [smem:$0x3F9F]  }
0x1a: {  	s8 =	sadd.s32 $0xFFFFE003, lr  }
0x1b: {  	s9 =	sadd.s32 $0xFFFFFEF7, lr;
	s5 =	simm.s32 $0xFFFFFFFF;
	p2 =	slt.u32 s8, $0xFFFFF086  }
0x1c: {  	p1 =	slt.u32 s9, $0xF7A;
	s5 =	simm.s32 @!p2 $0x0  }
0x1d: {  	s5 =	simm.s32 @p1 $0x1;
	p0 =	seq.s32 s7, s2  }
0x1e: {  	s7 =	smul.u32 @!p0 $0xF7A, s2;
	p2 =	seq.s32 @!p0 s5, $0x0  }
0x1f: {  	s9 =	smul.u32 $0xF7A, s1;
	s8 =	simm.s32 @!p0 $0x1BF5;
	p2 =	por !p2, p0  }
0x20: {  	[sflag:s8] =	ssyncset.s32 @!p0 $0xFFFFF086;
	s6 =	sadd.s32 @!p0 s3, s7;
	s7 =	simm.s32 @!p0 $0x108  }
0x21: {  	s3 =	sadd.s32 s3, s9;
	s6 =	sadd.s32 @!p0 $0x88, s6;
	s7 =	simm.s32 @p2 $0x1082  }
0x22: {  	[simem:s7], [sflag:s8] =	dma.local @!p0 [hbm:s6], $0xF7A  }
0x23: {  	s9 =	sor.u32 $0xD0000000, s2;
	s6 =	simm.s32 $0x108;
	_ =	swait.ge @!p0 [sflag:s8], $0x0  }
0x24: {  	s3 =	sadd.s32 $0x88, s3;
	s6 =	simm.s32 @!p1 $0x1082;
	[sflag:s4] =	ssyncset.s32 $0xFFFFF086  }
0x25: {  	[simem:s6], [sflag:s4] =	dma.local [hbm:s3], $0xF7A  }
0x26: {  	[smem:$0x3F9F] =	sst s1;
	(tag) =	ssettag s2;
	_ =	strace s9  }
0x27: {  	s1 =	sld [smem:$0x3FAF]  }
0x28: {  	s2 =	sld [smem:$0x3FB0]  }
0x29: {  	s4 =	sld [smem:$0x3FB2]  }
0x2a: {  	p0 =	seq.s32 s5, $0x0;
	s5 =	sld [smem:$0x3FB3]  }
0x2b: {  	s6 =	sld [smem:$0x3FB4]  }
0x2c: {  	s7 =	sld [smem:$0x3FB5]  }
0x2d: {  	s3 =	simm.s32 $0x108;
	s8 =	sld [smem:$0x3FB6]  }
0x2e: {  	s3 =	simm.s32 @!p0 $0x1082;
	s9 =	sld [smem:$0x3FB7]  }
0x2f: {  	lr =	sadd.s32 s0, s3;
	s0 =	sld [smem:$0x3FAE]  }
0x30: {  	s3 =	sld [smem:$0x3FB1]  }
0x31: {  	[smem:$0x3FBA] =	sst s10  }
0x32: {  	s10 =	sld [smem:$0x3FB8];
	_ =	sdelay $0x3  }
0x33: {  	p0 =	seq.s32 s10, $0x1;
	s10 =	sld [smem:$0x3FBA];
	_ =	sdelay $0x3  }
0x34: {  	[smem:$0x3FBA] =	sst s10  }
0x35: {  	s10 =	sld [smem:$0x3FB9];
	_ =	sdelay $0x3  }
0x36: {  	p1 =	seq.s32 s10, $0x1;
	s10 =	sld [smem:$0x3FBA];
	_ =	sdelay $0x3  }
0x37: {  	[smem:$0x3FBA] =	sst s10  }
0x38: {  	s10 =	sld [smem:$0x3FBB]  }
0x39: {  	_ = 	snop;
	(pc) =	sbr.ind lr, $3  }
0x3a: {  	_ = 	snop  }
0x3b: {  	_ = 	snop  }
0x3c: {  	p2 =	seq.s32 s10, $0x1;
	s10 =	sld [smem:$0x3FBA]  }
0x3d: {  	_ =	shalt  }
0x3e: {  	_ =	shalt  }
0x3f: {  	_ =	shalt  }
0x40: {  	_ =	shalt  }
0x41: {  	_ =	shalt  }
0x42: {  	_ =	shalt  }
0x43: {  	_ =	shalt  }
0x44: {  	_ =	shalt  }
0x45: {  	_ =	shalt  }
0x46: {  	_ =	shalt  }
0x47: {  	_ =	shalt  }
0x48: {  	_ =	shalt  }
0x49: {  	_ =	shalt  }
0x4a: {  	_ =	shalt  }
0x4b: {  	_ =	shalt  }
0x4c: {  	_ =	shalt  }
0x4d: {  	_ =	shalt  }
0x4e: {  	_ =	shalt  }
0x4f: {  	_ =	shalt  }
0x50: {  	_ =	shalt  }
0x51: {  	_ =	shalt  }
0x52: {  	_ =	shalt  }
0x53: {  	_ =	shalt  }
0x54: {  	_ =	shalt  }
0x55: {  	_ =	shalt  }
0x56: {  	_ =	shalt  }
0x57: {  	_ =	shalt  }
0x58: {  	_ =	shalt  }
0x59: {  	_ =	shalt  }
0x5a: {  	_ =	shalt  }
0x5b: {  	_ =	shalt  }
0x5c: {  	_ =	shalt  }
0x5d: {  	_ =	shalt  }
0x5e: {  	_ =	shalt  }
0x5f: {  	_ =	shalt  }
0x60: {  	_ =	shalt  }
0x61: {  	_ =	shalt  }
0x62: {  	_ =	shalt  }
0x63: {  	_ =	shalt  }
0x64: {  	_ =	shalt  }
0x65: {  	_ =	shalt  }
0x66: {  	_ =	shalt  }
0x67: {  	_ =	shalt  }
0x68: {  	_ =	shalt  }
0x69: {  	_ =	shalt  }
0x6a: {  	_ =	shalt  }
0x6b: {  	_ =	shalt  }
0x6c: {  	_ =	shalt  }
0x6d: {  	_ =	shalt  }
0x6e: {  	_ =	shalt  }
0x6f: {  	_ =	shalt  }
0x70: {  	_ =	shalt  }
0x71: {  	_ =	shalt  }
0x72: {  	_ =	shalt  }
0x73: {  	_ =	shalt  }
0x74: {  	_ =	shalt  }
0x75: {  	_ =	shalt  }
0x76: {  	_ =	shalt  }
0x77: {  	_ =	shalt  }
0x78: {  	_ =	shalt  }
0x79: {  	_ =	shalt  }
0x7a: {  	_ =	shalt  }
0x7b: {  	_ =	shalt  }
0x7c: {  	_ =	shalt  }
0x7d: {  	_ =	shalt  }
0x7e: {  	_ =	shalt  }
0x7f: {  	_ =	shalt  }
0x80: {  	_ =	shalt  }
0x81: {  	_ =	shalt  }
0x82: {  	_ =	shalt  }
0x83: {  	_ =	shalt  }
0x84: {  	_ =	shalt  }
0x85: {  	_ =	shalt  }
0x86: {  	_ =	shalt  }
0x87: {  	_ =	shalt  }
.Lfunc_end0:
.L_simem_size_0:
called_computation.1_lowered:
.L_overlay_start_0:
0x88: {  	s2 =	sld [smem:$0x3FD9]  }
0x89: {  	s3 =	sld [smem:$0x3FFE];
	_ =	sdelay $0x1  }
0x8a: {  	s1 =	srdreg.scid  }
0x8b: {  	s0 =	sand.u32 $0x1, s1  }
0x8c: {  	s17 =	sshll.u32 s0, $0xA;
	s2 =	sadd.s32 s3, s2  }
0x8d: {  	s2 =	sadd.s32 s2, s17  }
0x8e: {  	[smem:$0x3FC6] =	sst s2  }
0x8f: {  	_ = 	snop  }
0x90: {  	s2 =	sld [smem:$0x3FC9]  }
0x91: {  	s18 =	sld [smem:$0x3FD0];
	(tm) =	ssettm $0x1  }
0x92: {  	s4 =	sld [smem:$0x3FFB];
	_ =	sdelay $0x3  }
0x93: {  	_ =	strace s4  }
0x94: {  	s4 =	sld [smem:$0x3FFC];
	_ =	sdelay $0x3  }
0x95: {  	_ =	strace s4  }
0x96: {  	s4 =	sld [smem:$0x3FFD];
	_ =	sdelay $0x3  }
0x97: {  	_ =	strace s4  }
0x98: {  	_ =	strace $0x8FFFFFFF  }
0x99: {  	s19 =	sld [smem:$0x3FDB];
	_ =	sdelay $0x1  }
0x9a: {  	s5 =	simm.s32 $_scs_section_size  }
0x9b: {  	s6 =	simm.s32 $_size__tile_overlayer_lowered;
	s7 =	simm.s32 $_tile_overlayer_lowered  }
0x9c: {  	s22 =	simm.s32 $0x1BFF;
	s21 =	sshll.u32 s7, $0x1;
	s4 =	sadd.s32 s5, s19  }
0x9d: {  	s8 =	simm.s32 $0x0;
	s20 =	sshll.u32 s6, $0x1;
	s6 =	sadd.s32 s21, s4  }
0x9e: {  	[timem:s8], [sflag:s22] =	dma.local [hbm:s6], s20  }
0x9f: {  	_ =	swait.ge [sflag:s22], s20  }
0xa0: {  	s5 =	ssub.s32 $0x0, s20;
	[sflag:s22] =	ssyncset.done $0x0  }
0xa1: {  	[sflag:s22] =	ssyncadd.s32 s5;
	_ =	sdelay $0x1  }
0xa2: {  	s23 =	simm.s32 $0x1B8B  }
0xa3: {  	_ =	swait.ge [sflag:s23], $0x1  }
0xa4: {  	[sflag:s23] =	ssyncset.done $0x0  }
0xa5: {  	s25 =	simm.s32 $0x1B8E;
	s24 =	sld [smem:$0x3FFE];
	[sflag:s23] =	ssyncadd.s32 $0xFFFFFFFF  }
0xa6: {  	s26 =	simm.s32 $execute0_lowered;
	[smem:$0x3FD2] =	sst s25  }
0xa7: {  	s6 =	sshll.u32 s26, $0x1;
	_ =	strace $0x80000049;
	[dreg:$0x1] =	wrdreg $0xFFFFFFFF  }
0xa8: {  	s28 =	simm.s32 $_size_execute0_lowered;
	s4 =	sadd.s32 s4, s6;
	[dreg:$0x0] =	wrdreg $0x0  }
0xa9: {  	s6 =	sshll.u32 s28, $0x1;
	[dreg:$0x2] =	wrdreg s4  }
0xaa: {  	[dreg:$0x3] =	wrdreg s6  }
0xab: {  	[dreg:$0x4] =	wrdreg $0xC0  }
0xac: {  	_ =	task [dreg:s8], $0x5FFFF  }
0xad: {  	[dreg:$0x1] =	wrdreg $0xFFFFFFFF  }
0xae: {  	[dreg:$0x0] =	wrdreg $0x60  }
0xaf: {  	[dreg:$0x2] =	wrdreg s2  }
0xb0: {  	[dreg:$0x3] =	wrdreg s24  }
0xb1: {  	[dreg:$0x4] =	wrdreg s18  }
0xb2: {  	[dreg:$0x5] =	wrdreg $0x9  }
0xb3: {  	_ =	task.clear_ibuf [dreg:s8], $0x6FFFF;
	_ =	strace $0x90000049  }
0xb4: {  	s29 =	simm.s32 $0x9;
	_ =	strace $0x8000004B  }
0xb5: {  	_ =	swait.ge [sflag:s29], $0x1  }
0xb6: {  	[sflag:s29] =	ssyncadd.s32 $0xFFFFFFFF  }
0xb7: {  	_ =	strace $0x9000004B  }
0xb8: {  	_ =	sfence  }
0xb9: {  	s30 =	sld [smem:$0x0];
	_ =	sdelay $0x2  }
0xba: {  	s31 =	sshll.u32 s1, $0xD;
	s1 =	sshrl.u32 s1, $0x2  }
0xbb: {  	s3 =	sand.u32 $0x4000, s31;
	s1 =	sadd.s32 s1, s30  }
0xbc: {  	s0 =	sor.u32 s3, s0;
	s1 =	sshll.u32 s1, $0x11  }
0xbd: {  	s0 =	sor.u32 s1, s0  }
0xbe: {  	s0 =	sadd.s32 $0x8F2B, s0  }
0xbf: {  	[sflag:s0] =	ssyncadd.remote.s32 $0x1  }
0xc0: {  	_ =	sfence.sel $0xFFFF  }
0xc1: {  	[dreg:$0x0] =	wrdreg $0xFFFFFFFF;
	(pc) =	sbr.abs _section_cstart, $3  }
0xc2: {  	[dreg:$0x1] =	wrdreg $0xFFFFFFFF  }
0xc3: {  	_ =	task.clear_ibuf [dreg:s8], $0x2FFFF;
	_ =	strace $0x9FFFFFFF  }
0xc4: {  	(tm) =	ssettm $0x7FFFFFFF  }
0xc5: {  	_ =	shalt  }
tec
execute0_lowered:
.L_overlay_start_1:
0x0: {  	(tag) =	ssettag $0x1  }
0x1: {  	s1 =	rddreg [dreg:$0x0]  }
0x2: {  	s0 =	rddreg [dreg:$0x1]  }
0x3: {  	s3 =	rddreg [dreg:$0x2];
	s2 =	simm.s32 $0x0;
	s4 =	srdreg.scid  }
0x4: {  	s7 =	stileid.u32;
	s20 =	simm.s32 $0x1;
	s21 =	simm.s32 $0x200  }
0x5: {  	s22 =	simm.s32 $0x4200;
	s25 =	simm.s32 $0xC200;
	s26 =	simm.s32 $0x10200  }
0x6: {  	s17 =	simm.s32 $0x6;
	s18 =	simm.s32 $0x4;
	s19 =	simm.s32 $0x5  }
0x7: {  	s23 =	simm.s32 $0x0;
	[smem:$0x7FF] =	sst s2;
	s10 =	sadd.s32 $0x1200, s0  }
0x8: {  	s6 =	sadd.s32 $0x21200, s0;
	s4 =	sand.u32 $0x1, s4;
	s7 =	sshll.u32 s7, $0x8  }
0x9: {  	s0 =	sadd.s32 $0x21400, s0;
	s5 =	ssub.s32 $0x2, s4;
	s4 =	sshll.u32 s4, $0x7  }
0xa: {  	_ =	strace $0x8000004A;
	s8 =	sshrl.u32 s5, $0x1;
	s9 =	sor.u32 s4, s7  }
0xb: {  	s16 =	ssub.s32 s5, s8;
	s29 =	sshrl.u32 s9, $0x3;
	s11 =	sor.u32 $0x40, s9  }
0xc: {  	s31 =	sshll.u32 s9, $0x5;
	s4 =	sadd.s32 s6, s29;
	s5 =	sadd.s32 s0, s29  }
0xd: {  	s30 =	sshrl.u32 s11, $0x3;
	s8 =	sadd.s32 s10, s31;
	s15 =	sshll.u32 s11, $0x5  }
0xe: {  	s9 =	sadd.s32 s3, s31;
	s13 =	sadd.s32 s1, s31;
	s16 =	smax.u32 s16, $0x1  }
0xf: {  	v2 =	vlaneseq.u32;
	s6 =	sadd.s32 s6, s30;
	s7 =	sadd.s32 s0, s30;
	s10 =	sadd.s32 s10, s15  }
0x10: {  	vm0 =	vmmov $0xffff;
	v1 =	vshrl.u32 v2, $0x3;
	s11 =	sadd.s32 $0x20000, s9;
	s12 =	sadd.s32 $0x20800, s9;
	s14 =	sadd.s32 s1, s15  }
0x11: {  	v0 =	vand.u32 $0x7, v2;
	v2 =	vor.u32 $0x8, v2;
	v1 =	vmul.u32 $0x8, v1;
	s15 =	sadd.s32 s3, s15;
	s0 =	simm.s32 $0x2;
	s3 =	simm.s32 $0x3  }
.LBB2_1:
0x12: {  	[tilespmem:s2], [sflag:$0x1] =	stream.linear.gather [hbm4b:s4+s2], $0x40, $0x38;
	[tilespmem:$0x18200] =	vst v63  }
0x13: {  	s24 =	simm.s32 $0x80  }
0x14: {  	[tilespmem:s24], [sflag:$0x1] =	stream.linear.gather [hbm4b:s5+s2], $0x40, $0x38;
	[tilespmem:$0x18200] =	vst v63  }
0x15: {  	s31 =	simm.s32 $0x100  }
0x16: {  	[tilespmem:s31], [sflag:$0x1] =	stream.linear.gather [hbm4b:s6+s2], $0x40, $0x38;
	[tilespmem:$0x18200] =	vst v63  }
0x17: {  	s30 =	simm.s32 $0x180  }
0x18: {  	[tilespmem:s30], [sflag:$0x1] =	stream.linear.gather [hbm4b:s7+s2], $0x40, $0x38;
	[tilespmem:$0x18200] =	vst v63  }
0x19: {  	_ =	swait.ge [sflag:s20], $0x40  }
0x1a: {  	[sflag:s20] =	ssyncset.done $0x0  }
0x1b: {  	[sflag:s20] =	ssyncadd.s32 $0xFFFFFFC0  }
0x1c: {  	_ =	swait.ge [sflag:s20], $0x40  }
0x1d: {  	[sflag:s20] =	ssyncset.done $0x0  }
0x1e: {  	[sflag:s20] =	ssyncadd.s32 $0xFFFFFFC0  }
0x1f: {  	_ =	swait.ge [sflag:s20], $0x40  }
0x20: {  	[sflag:s20] =	ssyncset.done $0x0  }
0x21: {  	[sflag:s20] =	ssyncadd.s32 $0xFFFFFFC0  }
0x22: {  	_ =	swait.ge [sflag:s20], $0x40  }
0x23: {  	[sflag:s20] =	ssyncset.done $0x0  }
0x24: {  	[sflag:s20] =	ssyncadd.s32 $0xFFFFFFC0  }
0x25: {  	[tilespmem:s21], [sflag:$0x2] =	stream.linear.gather [hbm4b:s8+s2], $0x4000, $0x38;
	[tilespmem:$0x18200] =	vst v63  }
0x26: {  	v3 =	vld [tilespmem:$0x0];
	_ =	sdelay $0x4  }
0x27: {  	v4 =	vshll.u32 v3, $0x1  }
0x28: {  	v3 =	vand.u32 $0x7, v3;
	v4 =	vand.u32 $0xFFFFFFF0, v4  }
0x29: {  	v3 =	vor.u32 v3, v4  }
0x2a: {  	v4 =	vperm.xlane v3, v0;
	_ =	sdelay $0x1  }
0x2b: {  	v3 =	vperm.xlane v3, v2;
	v4 =	vadd.s32 v1, v4;
	_ =	sdelay $0x1  }
0x2c: {  	v3 =	vadd.s32 v1, v3;
	_ =	sdelay $0x2  }
0x2d: {  	[tilespmem:s22], [sflag:$0x2] =	stream.indirect_vreg.gather [hbm4b:s1+s2], $0x80, v4, vm0, $0xb8;
	[tilespmem:$0x18200] =	vst v63  }
0x2e: {  	s31 =	simm.s32 $0x4A00  }
0x2f: {  	[tilespmem:s31], [sflag:$0x2] =	stream.indirect_vreg.gather [hbm4b:s1+s2], $0x80, v3, vm0, $0xb8;
	[tilespmem:$0x18200] =	vst v63  }
0x30: {  	v3 =	vld [tilespmem:$0x10];
	_ =	sdelay $0x4  }
0x31: {  	v4 =	vshll.u32 v3, $0x1  }
0x32: {  	v3 =	vand.u32 $0x7, v3;
	v4 =	vand.u32 $0xFFFFFFF0, v4  }
0x33: {  	v3 =	vor.u32 v3, v4  }
0x34: {  	v4 =	vperm.xlane v3, v0;
	_ =	sdelay $0x1  }
0x35: {  	v3 =	vperm.xlane v3, v2;
	v4 =	vadd.s32 v1, v4;
	_ =	sdelay $0x1  }
0x36: {  	v3 =	vadd.s32 v1, v3;
	_ =	sdelay $0x1  }
0x37: {  	s30 =	simm.s32 $0x5200  }
0x38: {  	[tilespmem:s30], [sflag:$0x2] =	stream.indirect_vreg.gather [hbm4b:s1+s2], $0x80, v4, vm0, $0xb8;
	[tilespmem:$0x18200] =	vst v63  }
0x39: {  	s31 =	simm.s32 $0x5A00  }
0x3a: {  	[tilespmem:s31], [sflag:$0x2] =	stream.indirect_vreg.gather [hbm4b:s1+s2], $0x80, v3, vm0, $0xb8;
	[tilespmem:$0x18200] =	vst v63  }
0x3b: {  	v3 =	vld [tilespmem:$0x20];
	_ =	sdelay $0x4  }
0x3c: {  	v4 =	vshll.u32 v3, $0x1  }
0x3d: {  	v3 =	vand.u32 $0x7, v3;
	v4 =	vand.u32 $0xFFFFFFF0, v4  }
0x3e: {  	v3 =	vor.u32 v3, v4  }
0x3f: {  	v4 =	vperm.xlane v3, v0;
	_ =	sdelay $0x1  }
0x40: {  	v3 =	vperm.xlane v3, v2;
	v4 =	vadd.s32 v1, v4;
	_ =	sdelay $0x1  }
0x41: {  	v3 =	vadd.s32 v1, v3;
	_ =	sdelay $0x1  }
0x42: {  	s30 =	simm.s32 $0x6200  }
0x43: {  	[tilespmem:s30], [sflag:$0x2] =	stream.indirect_vreg.gather [hbm4b:s1+s2], $0x80, v4, vm0, $0xb8;
	[tilespmem:$0x18200] =	vst v63  }
0x44: {  	s31 =	simm.s32 $0x6A00  }
0x45: {  	[tilespmem:s31], [sflag:$0x2] =	stream.indirect_vreg.gather [hbm4b:s1+s2], $0x80, v3, vm0, $0xb8;
	[tilespmem:$0x18200] =	vst v63  }
0x46: {  	v3 =	vld [tilespmem:$0x30];
	_ =	sdelay $0x4  }
0x47: {  	v4 =	vshll.u32 v3, $0x1  }
0x48: {  	v3 =	vand.u32 $0x7, v3;
	v4 =	vand.u32 $0xFFFFFFF0, v4  }
0x49: {  	v3 =	vor.u32 v3, v4  }
0x4a: {  	v4 =	vperm.xlane v3, v0;
	_ =	sdelay $0x1  }
0x4b: {  	v3 =	vperm.xlane v3, v2;
	v4 =	vadd.s32 v1, v4;
	_ =	sdelay $0x1  }
0x4c: {  	v3 =	vadd.s32 v1, v3;
	_ =	sdelay $0x1  }
0x4d: {  	s30 =	simm.s32 $0x7200  }
0x4e: {  	[tilespmem:s30], [sflag:$0x2] =	stream.indirect_vreg.gather [hbm4b:s1+s2], $0x80, v4, vm0, $0xb8;
	[tilespmem:$0x18200] =	vst v63  }
0x4f: {  	s31 =	simm.s32 $0x7A00  }
0x50: {  	[tilespmem:s31], [sflag:$0x2] =	stream.indirect_vreg.gather [hbm4b:s1+s2], $0x80, v3, vm0, $0xb8;
	[tilespmem:$0x18200] =	vst v63  }
0x51: {  	v3 =	vld [tilespmem:$0x80];
	_ =	sdelay $0x4  }
0x52: {  	v4 =	vshll.u32 v3, $0x1  }
0x53: {  	v3 =	vand.u32 $0x7, v3;
	v4 =	vand.u32 $0xFFFFFFF0, v4  }
0x54: {  	v3 =	vor.u32 v3, v4  }
0x55: {  	v4 =	vperm.xlane v3, v0;
	_ =	sdelay $0x1  }
0x56: {  	v3 =	vperm.xlane v3, v2;
	v4 =	vadd.s32 v1, v4;
	_ =	sdelay $0x1  }
0x57: {  	v3 =	vadd.s32 v1, v3;
	_ =	sdelay $0x1  }
0x58: {  	s30 =	simm.s32 $0x8200  }
0x59: {  	[tilespmem:s30], [sflag:$0x2] =	stream.indirect_vreg.gather [hbm4b:s1+s2], $0x80, v4, vm0, $0xb8;
	[tilespmem:$0x18200] =	vst v63  }
0x5a: {  	s31 =	simm.s32 $0x8A00  }
0x5b: {  	[tilespmem:s31], [sflag:$0x2] =	stream.indirect_vreg.gather [hbm4b:s1+s2], $0x80, v3, vm0, $0xb8;
	[tilespmem:$0x18200] =	vst v63  }
0x5c: {  	v3 =	vld [tilespmem:$0x90];
	_ =	sdelay $0x4  }
0x5d: {  	v4 =	vshll.u32 v3, $0x1  }
0x5e: {  	v3 =	vand.u32 $0x7, v3;
	v4 =	vand.u32 $0xFFFFFFF0, v4  }
0x5f: {  	v3 =	vor.u32 v3, v4  }
0x60: {  	v4 =	vperm.xlane v3, v0;
	_ =	sdelay $0x1  }
0x61: {  	v3 =	vperm.xlane v3, v2;
	v4 =	vadd.s32 v1, v4;
	_ =	sdelay $0x1  }
0x62: {  	v3 =	vadd.s32 v1, v3;
	_ =	sdelay $0x1  }
0x63: {  	s30 =	simm.s32 $0x9200  }
0x64: {  	[tilespmem:s30], [sflag:$0x2] =	stream.indirect_vreg.gather [hbm4b:s1+s2], $0x80, v4, vm0, $0xb8;
	[tilespmem:$0x18200] =	vst v63  }
0x65: {  	s31 =	simm.s32 $0x9A00  }
0x66: {  	[tilespmem:s31], [sflag:$0x2] =	stream.indirect_vreg.gather [hbm4b:s1+s2], $0x80, v3, vm0, $0xb8;
	[tilespmem:$0x18200] =	vst v63  }
0x67: {  	v3 =	vld [tilespmem:$0xA0];
	_ =	sdelay $0x4  }
0x68: {  	v4 =	vshll.u32 v3, $0x1  }
0x69: {  	v3 =	vand.u32 $0x7, v3;
	v4 =	vand.u32 $0xFFFFFFF0, v4  }
0x6a: {  	v3 =	vor.u32 v3, v4  }
0x6b: {  	v4 =	vperm.xlane v3, v0;
	_ =	sdelay $0x1  }
0x6c: {  	v3 =	vperm.xlane v3, v2;
	v4 =	vadd.s32 v1, v4;
	_ =	sdelay $0x1  }
0x6d: {  	v3 =	vadd.s32 v1, v3;
	_ =	sdelay $0x1  }
0x6e: {  	s30 =	simm.s32 $0xA200  }
0x6f: {  	[tilespmem:s30], [sflag:$0x2] =	stream.indirect_vreg.gather [hbm4b:s1+s2], $0x80, v4, vm0, $0xb8;
	[tilespmem:$0x18200] =	vst v63  }
0x70: {  	s31 =	simm.s32 $0xAA00  }
0x71: {  	[tilespmem:s31], [sflag:$0x2] =	stream.indirect_vreg.gather [hbm4b:s1+s2], $0x80, v3, vm0, $0xb8;
	[tilespmem:$0x18200] =	vst v63  }
0x72: {  	v3 =	vld [tilespmem:$0xB0];
	_ =	sdelay $0x4  }
0x73: {  	v4 =	vshll.u32 v3, $0x1  }
0x74: {  	v3 =	vand.u32 $0x7, v3;
	v4 =	vand.u32 $0xFFFFFFF0, v4  }
0x75: {  	v3 =	vor.u32 v3, v4  }
0x76: {  	v4 =	vperm.xlane v3, v0;
	_ =	sdelay $0x1  }
0x77: {  	v3 =	vperm.xlane v3, v2;
	v4 =	vadd.s32 v1, v4;
	_ =	sdelay $0x1  }
0x78: {  	v3 =	vadd.s32 v1, v3;
	_ =	sdelay $0x1  }
0x79: {  	s30 =	simm.s32 $0xB200  }
0x7a: {  	[tilespmem:s30], [sflag:$0x2] =	stream.indirect_vreg.gather [hbm4b:s1+s2], $0x80, v4, vm0, $0xb8;
	[tilespmem:$0x18200] =	vst v63  }
0x7b: {  	s31 =	simm.s32 $0xBA00  }
0x7c: {  	[tilespmem:s31], [sflag:$0x2] =	stream.indirect_vreg.gather [hbm4b:s1+s2], $0x80, v3, vm0, $0xb8;
	[tilespmem:$0x18200] =	vst v63  }
0x7d: {  	_ = 	snop  }
0x7e: {  	[tilespmem:s25], [sflag:$0x3] =	stream.linear.gather [hbm4b:s10+s2], $0x4000, $0x38;
	[tilespmem:$0x18200] =	vst v63  }
0x7f: {  	v3 =	vld [tilespmem:$0x100];
	_ =	sdelay $0x4  }
0x80: {  	v4 =	vshll.u32 v3, $0x1  }
0x81: {  	v3 =	vand.u32 $0x7, v3;
	v4 =	vand.u32 $0xFFFFFFF0, v4  }
0x82: {  	v3 =	vor.u32 v3, v4  }
0x83: {  	v4 =	vperm.xlane v3, v0;
	_ =	sdelay $0x1  }
0x84: {  	v3 =	vperm.xlane v3, v2;
	v4 =	vadd.s32 v1, v4;
	_ =	sdelay $0x1  }
0x85: {  	v3 =	vadd.s32 v1, v3;
	_ =	sdelay $0x2  }
0x86: {  	[tilespmem:s26], [sflag:$0x3] =	stream.indirect_vreg.gather [hbm4b:s1+s2], $0x80, v4, vm0, $0xb8;
	[tilespmem:$0x18200] =	vst v63  }
0x87: {  	s30 =	simm.s32 $0x10A00  }
0x88: {  	[tilespmem:s30], [sflag:$0x3] =	stream.indirect_vreg.gather [hbm4b:s1+s2], $0x80, v3, vm0, $0xb8;
	[tilespmem:$0x18200] =	vst v63  }
0x89: {  	v3 =	vld [tilespmem:$0x110];
	_ =	sdelay $0x4  }
0x8a: {  	v4 =	vshll.u32 v3, $0x1  }
0x8b: {  	v3 =	vand.u32 $0x7, v3;
	v4 =	vand.u32 $0xFFFFFFF0, v4  }
0x8c: {  	v3 =	vor.u32 v3, v4  }
0x8d: {  	v4 =	vperm.xlane v3, v0;
	_ =	sdelay $0x1  }
0x8e: {  	v3 =	vperm.xlane v3, v2;
	v4 =	vadd.s32 v1, v4;
	_ =	sdelay $0x1  }
0x8f: {  	v3 =	vadd.s32 v1, v3;
	_ =	sdelay $0x1  }
0x90: {  	s31 =	simm.s32 $0x11200  }
0x91: {  	[tilespmem:s31], [sflag:$0x3] =	stream.indirect_vreg.gather [hbm4b:s1+s2], $0x80, v4, vm0, $0xb8;
	[tilespmem:$0x18200] =	vst v63  }
0x92: {  	s30 =	simm.s32 $0x11A00  }
0x93: {  	[tilespmem:s30], [sflag:$0x3] =	stream.indirect_vreg.gather [hbm4b:s1+s2], $0x80, v3, vm0, $0xb8;
	[tilespmem:$0x18200] =	vst v63  }
0x94: {  	v3 =	vld [tilespmem:$0x120];
	_ =	sdelay $0x4  }
0x95: {  	v4 =	vshll.u32 v3, $0x1  }
0x96: {  	v3 =	vand.u32 $0x7, v3;
	v4 =	vand.u32 $0xFFFFFFF0, v4  }
0x97: {  	v3 =	vor.u32 v3, v4  }
0x98: {  	v4 =	vperm.xlane v3, v0;
	_ =	sdelay $0x1  }
0x99: {  	v3 =	vperm.xlane v3, v2;
	v4 =	vadd.s32 v1, v4;
	_ =	sdelay $0x1  }
0x9a: {  	v3 =	vadd.s32 v1, v3;
	_ =	sdelay $0x1  }
0x9b: {  	s31 =	simm.s32 $0x12200  }
0x9c: {  	[tilespmem:s31], [sflag:$0x3] =	stream.indirect_vreg.gather [hbm4b:s1+s2], $0x80, v4, vm0, $0xb8;
	[tilespmem:$0x18200] =	vst v63  }
0x9d: {  	s30 =	simm.s32 $0x12A00  }
0x9e: {  	[tilespmem:s30], [sflag:$0x3] =	stream.indirect_vreg.gather [hbm4b:s1+s2], $0x80, v3, vm0, $0xb8;
	[tilespmem:$0x18200] =	vst v63  }
0x9f: {  	v3 =	vld [tilespmem:$0x130];
	_ =	sdelay $0x4  }
0xa0: {  	v4 =	vshll.u32 v3, $0x1  }
0xa1: {  	v3 =	vand.u32 $0x7, v3;
	v4 =	vand.u32 $0xFFFFFFF0, v4  }
0xa2: {  	v3 =	vor.u32 v3, v4  }
0xa3: {  	v4 =	vperm.xlane v3, v0;
	_ =	sdelay $0x1  }
0xa4: {  	v3 =	vperm.xlane v3, v2;
	v4 =	vadd.s32 v1, v4;
	_ =	sdelay $0x1  }
0xa5: {  	v3 =	vadd.s32 v1, v3;
	_ =	sdelay $0x1  }
0xa6: {  	s31 =	simm.s32 $0x13200  }
0xa7: {  	[tilespmem:s31], [sflag:$0x3] =	stream.indirect_vreg.gather [hbm4b:s1+s2], $0x80, v4, vm0, $0xb8;
	[tilespmem:$0x18200] =	vst v63  }
0xa8: {  	s30 =	simm.s32 $0x13A00  }
0xa9: {  	[tilespmem:s30], [sflag:$0x3] =	stream.indirect_vreg.gather [hbm4b:s1+s2], $0x80, v3, vm0, $0xb8;
	[tilespmem:$0x18200] =	vst v63  }
0xaa: {  	v3 =	vld [tilespmem:$0x180];
	_ =	sdelay $0x4  }
0xab: {  	v4 =	vshll.u32 v3, $0x1  }
0xac: {  	v3 =	vand.u32 $0x7, v3;
	v4 =	vand.u32 $0xFFFFFFF0, v4  }
0xad: {  	v3 =	vor.u32 v3, v4  }
0xae: {  	v4 =	vperm.xlane v3, v0;
	_ =	sdelay $0x1  }
0xaf: {  	v3 =	vperm.xlane v3, v2;
	v4 =	vadd.s32 v1, v4;
	_ =	sdelay $0x1  }
0xb0: {  	v3 =	vadd.s32 v1, v3;
	_ =	sdelay $0x1  }
0xb1: {  	s31 =	simm.s32 $0x14200  }
0xb2: {  	[tilespmem:s31], [sflag:$0x3] =	stream.indirect_vreg.gather [hbm4b:s1+s2], $0x80, v4, vm0, $0xb8;
	[tilespmem:$0x18200] =	vst v63  }
0xb3: {  	s30 =	simm.s32 $0x14A00  }
0xb4: {  	[tilespmem:s30], [sflag:$0x3] =	stream.indirect_vreg.gather [hbm4b:s1+s2], $0x80, v3, vm0, $0xb8;
	[tilespmem:$0x18200] =	vst v63  }
0xb5: {  	v3 =	vld [tilespmem:$0x190];
	_ =	sdelay $0x4  }
0xb6: {  	v4 =	vshll.u32 v3, $0x1  }
0xb7: {  	v3 =	vand.u32 $0x7, v3;
	v4 =	vand.u32 $0xFFFFFFF0, v4  }
0xb8: {  	v3 =	vor.u32 v3, v4  }
0xb9: {  	v4 =	vperm.xlane v3, v0;
	_ =	sdelay $0x1  }
0xba: {  	v3 =	vperm.xlane v3, v2;
	v4 =	vadd.s32 v1, v4;
	_ =	sdelay $0x1  }
0xbb: {  	v3 =	vadd.s32 v1, v3;
	_ =	sdelay $0x1  }
0xbc: {  	s31 =	simm.s32 $0x15200  }
0xbd: {  	[tilespmem:s31], [sflag:$0x3] =	stream.indirect_vreg.gather [hbm4b:s1+s2], $0x80, v4, vm0, $0xb8;
	[tilespmem:$0x18200] =	vst v63  }
0xbe: {  	s30 =	simm.s32 $0x15A00  }
0xbf: {  	[tilespmem:s30], [sflag:$0x3] =	stream.indirect_vreg.gather [hbm4b:s1+s2], $0x80, v3, vm0, $0xb8;
	[tilespmem:$0x18200] =	vst v63  }
0xc0: {  	v3 =	vld [tilespmem:$0x1A0];
	_ =	sdelay $0x4  }
0xc1: {  	v4 =	vshll.u32 v3, $0x1  }
0xc2: {  	v3 =	vand.u32 $0x7, v3;
	v4 =	vand.u32 $0xFFFFFFF0, v4  }
0xc3: {  	v3 =	vor.u32 v3, v4  }
0xc4: {  	v4 =	vperm.xlane v3, v0;
	_ =	sdelay $0x1  }
0xc5: {  	v3 =	vperm.xlane v3, v2;
	v4 =	vadd.s32 v1, v4;
	_ =	sdelay $0x1  }
0xc6: {  	v3 =	vadd.s32 v1, v3;
	_ =	sdelay $0x1  }
0xc7: {  	s31 =	simm.s32 $0x16200  }
0xc8: {  	[tilespmem:s31], [sflag:$0x3] =	stream.indirect_vreg.gather [hbm4b:s1+s2], $0x80, v4, vm0, $0xb8;
	[tilespmem:$0x18200] =	vst v63  }
0xc9: {  	s30 =	simm.s32 $0x16A00  }
0xca: {  	[tilespmem:s30], [sflag:$0x3] =	stream.indirect_vreg.gather [hbm4b:s1+s2], $0x80, v3, vm0, $0xb8;
	[tilespmem:$0x18200] =	vst v63  }
0xcb: {  	v3 =	vld [tilespmem:$0x1B0];
	_ =	sdelay $0x4  }
0xcc: {  	v4 =	vshll.u32 v3, $0x1  }
0xcd: {  	v3 =	vand.u32 $0x7, v3;
	v4 =	vand.u32 $0xFFFFFFF0, v4  }
0xce: {  	v3 =	vor.u32 v3, v4  }
0xcf: {  	v4 =	vperm.xlane v3, v0;
	_ =	sdelay $0x1  }
0xd0: {  	v3 =	vperm.xlane v3, v2;
	v4 =	vadd.s32 v1, v4;
	_ =	sdelay $0x1  }
0xd1: {  	v3 =	vadd.s32 v1, v3;
	_ =	sdelay $0x1  }
0xd2: {  	s31 =	simm.s32 $0x17200  }
0xd3: {  	[tilespmem:s31], [sflag:$0x3] =	stream.indirect_vreg.gather [hbm4b:s1+s2], $0x80, v4, vm0, $0xb8;
	[tilespmem:$0x18200] =	vst v63  }
0xd4: {  	s30 =	simm.s32 $0x17A00  }
0xd5: {  	[tilespmem:s30], [sflag:$0x3] =	stream.indirect_vreg.gather [hbm4b:s1+s2], $0x80, v3, vm0, $0xb8;
	[tilespmem:$0x18200] =	vst v63  }
0xd6: {  	_ =	swait.ge [sflag:s0], $0x4000  }
0xd7: {  	[sflag:s0] =	ssyncset.done $0x0  }
0xd8: {  	[sflag:s0] =	ssyncadd.s32 $0xFFFFC000  }
0xd9: {  	_ =	swait.ge [sflag:s0], $0x4000  }
0xda: {  	[sflag:s0] =	ssyncset.done $0x0  }
0xdb: {  	[sflag:s0] =	ssyncadd.s32 $0xFFFFC000  }
0xdc: {  	_ =	swait.ge [sflag:s0], $0x4000  }
0xdd: {  	s28 =	sand.u32 $0x380, s2;
	s31 =	sand.u32 $0x3800, s2;
	[sflag:s0] =	ssyncset.done $0x0  }
0xde: {  	s24 =	sor.u32 s28, s31;
	[sflag:s0] =	ssyncadd.s32 $0xFFFFC000  }
0xdf: {  	v17 =	vld [tilespmem:s24+$0x8200]  }
0xe0: {  	v18 =	vld [tilespmem:s24+$0x8210]  }
0xe1: {  	v19 =	vld [tilespmem:s24+$0x8220]  }
0xe2: {  	v20 =	vld [tilespmem:s24+$0x8230]  }
0xe3: {  	v22 =	vld [tilespmem:s24+$0x8240]  }
0xe4: {  	v23 =	vld [tilespmem:s24+$0x8250]  }
0xe5: {  	v26 =	vld [tilespmem:s24+$0x8260]  }
0xe6: {  	v9 =	vld [tilespmem:s24+$0x8270]  }
0xe7: {  	v8 =	vld [tilespmem:s24+$0x8600]  }
0xe8: {  	v7 =	vld [tilespmem:s24+$0x8610]  }
0xe9: {  	v6 =	vld [tilespmem:s24+$0x8620]  }
0xea: {  	v5 =	vld [tilespmem:s24+$0x8630]  }
0xeb: {  	v4 =	vld [tilespmem:s24+$0x8640]  }
0xec: {  	v3 =	vld [tilespmem:s24+$0x8650]  }
0xed: {  	v21 =	vld [tilespmem:s24+$0x4200]  }
0xee: {  	v24 =	vld [tilespmem:s24+$0x4210]  }
0xef: {  	v25 =	vld [tilespmem:s24+$0x4220]  }
0xf0: {  	v27 =	vld [tilespmem:s24+$0x4230]  }
0xf1: {  	v28 =	vld [tilespmem:s24+$0x4240]  }
0xf2: {  	v29 =	vld [tilespmem:s24+$0x4250]  }
0xf3: {  	v30 =	vld [tilespmem:s24+$0x4260]  }
0xf4: {  	v31 =	vld [tilespmem:s24+$0x4270]  }
0xf5: {  	v32 =	vld [tilespmem:s24+$0x4600]  }
0xf6: {  	v16 =	vld [tilespmem:s24+$0x4610]  }
0xf7: {  	v15 =	vld [tilespmem:s24+$0x4620]  }
0xf8: {  	v14 =	vld [tilespmem:s24+$0x4630]  }
0xf9: {  	v13 =	vld [tilespmem:s24+$0x4640]  }
0xfa: {  	v12 =	vld [tilespmem:s24+$0x4650]  }
0xfb: {  	v11 =	vld [tilespmem:s24+$0x4660]  }
0xfc: {  	v10 =	vld [tilespmem:s24+$0x4670]  }
0xfd: {  	v33 =	vld [tilespmem:s24+$0x200]  }
0xfe: {  	v34 =	vld [tilespmem:s24+$0x210]  }
0xff: {  	v35 =	vld [tilespmem:s24+$0x220]  }
0x100: {  	v36 =	vld [tilespmem:s24+$0x230]  }
0x101: {  	v37 =	vld [tilespmem:s24+$0x240]  }
0x102: {  	v60 =	vld [tilespmem:s24+$0x250];
	v21 =	vadd.f32 v21, v33  }
0x103: {  	v61 =	vld [tilespmem:s24+$0x260];
	v24 =	vadd.f32 v24, v34  }
0x104: {  	v62 =	vld [tilespmem:s24+$0x270];
	v17 =	vadd.f32 v17, v21;
	v21 =	vadd.f32 v25, v35  }
0x105: {  	v63 =	vld [tilespmem:s24+$0x600];
	v18 =	vadd.f32 v18, v24;
	v24 =	vadd.f32 v27, v36  }
0x106: {  	v25 =	vadd.f32 v28, v37;
	v17 =	vmul.f32 $3.333333430e-01, v17;
	v19 =	vadd.f32 v19, v21;
	v21 =	vld [tilespmem:s24+$0x610]  }
0x107: {  	v28 =	vadd.f32 v29, v60;
	v27 =	vmul.f32 $3.333333430e-01, v18;
	v24 =	vadd.f32 v20, v24;
	v20 =	vld [tilespmem:s24+$0x620]  }
0x108: {  	v30 =	vadd.f32 v30, v61;
	v29 =	vadd.f32 v22, v25;
	v18 =	vld [tilespmem:s24+$0x630];
	[tilespmem:s24+$0x200] =	vst v17;
	v17 =	vmul.f32 $3.333333430e-01, v19  }
0x109: {  	v25 =	vadd.f32 v23, v28;
	v22 =	vadd.f32 v31, v62;
	[tilespmem:s24+$0x210] =	vst v27;
	v24 =	vmul.f32 $3.333333430e-01, v24;
	v19 =	vld [tilespmem:s24+$0x640]  }
0x10a: {  	s29 =	simm.s32 $0x0;
	s28 =	simm.s32 $0x100;
	v26 =	vadd.f32 v26, v30;
	v23 =	vadd.f32 v32, v63;
	v27 =	vmul.f32 $3.333333430e-01, v29;
	[tilespmem:s24+$0x220] =	vst v17;
	v17 =	vld [tilespmem:s24+$0x650]  }
.LBB2_2:
0x10b: {  	p0 =	sne.s32 s28, $0x3F00;
	[tilespmem:s24+$0x230] =	vst v24;
	v24 =	vmul.f32 $3.333333430e-01, v25;
	v9 =	vadd.f32 v9, v22;
	v16 =	vadd.f32 v16, v21;
	v21 =	vld [tilespmem:s24+$0x660]  }
0x10c: {  	s29 =	sadd.s32 $0x80, s29;
	[tilespmem:s24+$0x240] =	vst v27;
	v22 =	vmul.f32 $3.333333430e-01, v26;
	v8 =	vadd.f32 v8, v23;
	v15 =	vadd.f32 v15, v20;
	v20 =	vld [tilespmem:s24+$0x670]  }
0x10d: {  	s30 =	sand.u32 $0x3800, s28;
	s31 =	sand.u32 $0x380, s29;
	[tilespmem:s24+$0x250] =	vst v24;
	v9 =	vmul.f32 $3.333333430e-01, v9;
	v7 =	vadd.f32 v7, v16;
	v14 =	vadd.f32 v14, v18;
	v16 =	vld [tilespmem:s24+$0x8660]  }
0x10e: {  	s30 =	sor.u32 s31, s30;
	[tilespmem:s24+$0x260] =	vst v22;
	v8 =	vmul.f32 $3.333333430e-01, v8;
	v6 =	vadd.f32 v6, v15;
	v13 =	vadd.f32 v13, v19;
	v15 =	vld [tilespmem:s24+$0x8670]  }
0x10f: {  	v18 =	vld [tilespmem:s30+$0x8200];
	[tilespmem:s24+$0x270] =	vst v9;
	v7 =	vmul.f32 $3.333333430e-01, v7;
	v5 =	vadd.f32 v5, v14;
	v9 =	vadd.f32 v12, v17  }
0x110: {  	v17 =	vld [tilespmem:s30+$0x8210];
	[tilespmem:s24+$0x600] =	vst v8;
	v6 =	vmul.f32 $3.333333430e-01, v6;
	v4 =	vadd.f32 v4, v13;
	v8 =	vadd.f32 v11, v21  }
0x111: {  	v19 =	vld [tilespmem:s30+$0x8220];
	[tilespmem:s24+$0x610] =	vst v7;
	v5 =	vmul.f32 $3.333333430e-01, v5;
	v3 =	vadd.f32 v3, v9;
	v7 =	vadd.f32 v10, v20  }
0x112: {  	v20 =	vld [tilespmem:s30+$0x8230];
	[tilespmem:s24+$0x620] =	vst v6;
	v4 =	vmul.f32 $3.333333430e-01, v4;
	v6 =	vadd.f32 v16, v8  }
0x113: {  	v22 =	vld [tilespmem:s30+$0x8240];
	[tilespmem:s24+$0x630] =	vst v5;
	v3 =	vmul.f32 $3.333333430e-01, v3;
	v5 =	vadd.f32 v15, v7  }
0x114: {  	v23 =	vld [tilespmem:s30+$0x8250];
	[tilespmem:s24+$0x640] =	vst v4;
	v4 =	vmul.f32 $3.333333430e-01, v6  }
0x115: {  	v26 =	vld [tilespmem:s30+$0x8260];
	[tilespmem:s24+$0x650] =	vst v3;
	v3 =	vmul.f32 $3.333333430e-01, v5  }
0x116: {  	v9 =	vld [tilespmem:s30+$0x8270];
	[tilespmem:s24+$0x660] =	vst v4  }
0x117: {  	v8 =	vld [tilespmem:s30+$0x8600];
	[tilespmem:s24+$0x670] =	vst v3;
	s24 =	smov.u32 s30  }
0x118: {  	v7 =	vld [tilespmem:s24+$0x8610]  }
0x119: {  	v6 =	vld [tilespmem:s24+$0x8620]  }
0x11a: {  	v5 =	vld [tilespmem:s24+$0x8630]  }
0x11b: {  	v4 =	vld [tilespmem:s24+$0x8640]  }
0x11c: {  	v3 =	vld [tilespmem:s24+$0x8650]  }
0x11d: {  	v21 =	vld [tilespmem:s24+$0x4200]  }
0x11e: {  	v24 =	vld [tilespmem:s24+$0x4210]  }
0x11f: {  	v25 =	vld [tilespmem:s24+$0x4220]  }
0x120: {  	v27 =	vld [tilespmem:s24+$0x4230]  }
0x121: {  	v28 =	vld [tilespmem:s24+$0x4240]  }
0x122: {  	v29 =	vld [tilespmem:s24+$0x4250]  }
0x123: {  	v30 =	vld [tilespmem:s24+$0x4260]  }
0x124: {  	v31 =	vld [tilespmem:s24+$0x4270]  }
0x125: {  	v32 =	vld [tilespmem:s24+$0x4600]  }
0x126: {  	v16 =	vld [tilespmem:s24+$0x4610]  }
0x127: {  	v15 =	vld [tilespmem:s24+$0x4620]  }
0x128: {  	v14 =	vld [tilespmem:s24+$0x4630]  }
0x129: {  	v13 =	vld [tilespmem:s24+$0x4640]  }
0x12a: {  	v12 =	vld [tilespmem:s24+$0x4650]  }
0x12b: {  	v11 =	vld [tilespmem:s24+$0x4660]  }
0x12c: {  	v10 =	vld [tilespmem:s24+$0x4670]  }
0x12d: {  	v33 =	vld [tilespmem:s24+$0x200]  }
0x12e: {  	v34 =	vld [tilespmem:s24+$0x210]  }
0x12f: {  	v35 =	vld [tilespmem:s24+$0x220]  }
0x130: {  	v36 =	vld [tilespmem:s24+$0x230]  }
0x131: {  	v37 =	vld [tilespmem:s24+$0x240]  }
0x132: {  	v21 =	vadd.f32 v21, v33;
	v33 =	vld [tilespmem:s24+$0x250]  }
0x133: {  	v24 =	vadd.f32 v24, v34;
	v34 =	vld [tilespmem:s24+$0x260]  }
0x134: {  	v18 =	vadd.f32 v18, v21;
	v21 =	vadd.f32 v25, v35;
	v35 =	vld [tilespmem:s24+$0x270]  }
0x135: {  	v17 =	vadd.f32 v17, v24;
	v24 =	vadd.f32 v27, v36;
	v36 =	vld [tilespmem:s24+$0x600]  }
.Ltmp0:
0x136: {  	v18 =	vmul.f32 $3.333333430e-01, v18;
	v19 =	vadd.f32 v19, v21;
	v25 =	vadd.f32 v28, v37;
	v21 =	vld [tilespmem:s24+$0x610];
	(pc) =	sbr.rel @p0 .LBB2_2-.Ltmp0, $4  }
0x137: {  	v17 =	vmul.f32 $3.333333430e-01, v17;
	v24 =	vadd.f32 v20, v24;
	v27 =	vadd.f32 v29, v33;
	v20 =	vld [tilespmem:s24+$0x620]  }
0x138: {  	[tilespmem:s24+$0x200] =	vst v18;
	v28 =	vmul.f32 $3.333333430e-01, v19;
	v29 =	vadd.f32 v22, v25;
	v30 =	vadd.f32 v30, v34;
	v18 =	vld [tilespmem:s24+$0x630]  }
0x139: {  	[tilespmem:s24+$0x210] =	vst v17;
	v24 =	vmul.f32 $3.333333430e-01, v24;
	v25 =	vadd.f32 v23, v27;
	v22 =	vadd.f32 v31, v35;
	v19 =	vld [tilespmem:s24+$0x640]  }
0x13a: {  	s28 =	sadd.s32 $0x100, s28;
	[tilespmem:s24+$0x220] =	vst v28;
	v27 =	vmul.f32 $3.333333430e-01, v29;
	v26 =	vadd.f32 v26, v30;
	v23 =	vadd.f32 v32, v36;
	v17 =	vld [tilespmem:s24+$0x650]  }
0x13b: {  	[tilespmem:s24+$0x230] =	vst v24;
	v24 =	vmul.f32 $3.333333430e-01, v25;
	v25 =	vld [tilespmem:s24+$0x660];
	v9 =	vadd.f32 v9, v22;
	v16 =	vadd.f32 v16, v21  }
0x13c: {  	v22 =	vld [tilespmem:s24+$0x670];
	[tilespmem:s24+$0x240] =	vst v27;
	v21 =	vmul.f32 $3.333333430e-01, v26;
	v8 =	vadd.f32 v8, v23;
	v15 =	vadd.f32 v15, v20  }
0x13d: {  	v20 =	vld [tilespmem:s24+$0x8660];
	[tilespmem:s24+$0x250] =	vst v24;
	v9 =	vmul.f32 $3.333333430e-01, v9;
	v7 =	vadd.f32 v7, v16;
	v14 =	vadd.f32 v14, v18  }
0x13e: {  	[tilespmem:s24+$0x260] =	vst v21;
	v8 =	vmul.f32 $3.333333430e-01, v8;
	v6 =	vadd.f32 v6, v15;
	v13 =	vadd.f32 v13, v19;
	v15 =	vld [tilespmem:s24+$0x8670]  }
0x13f: {  	[tilespmem:s24+$0x270] =	vst v9;
	v7 =	vmul.f32 $3.333333430e-01, v7;
	v5 =	vadd.f32 v5, v14;
	v9 =	vadd.f32 v12, v17  }
0x140: {  	[tilespmem:s24+$0x600] =	vst v8;
	v6 =	vmul.f32 $3.333333430e-01, v6;
	v4 =	vadd.f32 v4, v13;
	v8 =	vadd.f32 v11, v25  }
0x141: {  	[tilespmem:s24+$0x610] =	vst v7;
	v5 =	vmul.f32 $3.333333430e-01, v5;
	v3 =	vadd.f32 v3, v9;
	v7 =	vadd.f32 v10, v22  }
0x142: {  	[tilespmem:s24+$0x620] =	vst v6;
	v4 =	vmul.f32 $3.333333430e-01, v4;
	v6 =	vadd.f32 v20, v8  }
0x143: {  	[tilespmem:s24+$0x630] =	vst v5;
	v3 =	vmul.f32 $3.333333430e-01, v3;
	v5 =	vadd.f32 v15, v7  }
0x144: {  	[tilespmem:s24+$0x640] =	vst v4;
	v4 =	vmul.f32 $3.333333430e-01, v6  }
0x145: {  	[tilespmem:s24+$0x650] =	vst v3;
	v3 =	vmul.f32 $3.333333430e-01, v5  }
0x146: {  	[tilespmem:s24+$0x660] =	vst v4  }
0x147: {  	s28 =	simm.s32 $0x0;
	[tilespmem:s24+$0x670] =	vst v3  }
0x148: {  	[hbm4b:s11+s28] =	stream.linear.scatter [tilespmem:s21], [sflag:$0x4], $0x4000, $0x38;
	[tilespmem:$0x18200] =	vst v63  }
0x149: {  	_ =	swait.ge [sflag:s3], $0x4000  }
0x14a: {  	[sflag:s3] =	ssyncset.done $0x0  }
0x14b: {  	[sflag:s3] =	ssyncadd.s32 $0xFFFFC000  }
0x14c: {  	_ =	swait.ge [sflag:s3], $0x4000  }
0x14d: {  	[sflag:s3] =	ssyncset.done $0x0  }
0x14e: {  	[sflag:s3] =	ssyncadd.s32 $0xFFFFC000  }
0x14f: {  	_ =	swait.ge [sflag:s3], $0x4000  }
0x150: {  	s31 =	sand.u32 $0x3800, s28;
	s29 =	sand.u32 $0x380, s28;
	[sflag:s3] =	ssyncset.done $0x0  }
0x151: {  	s24 =	sor.u32 s29, s31;
	[sflag:s3] =	ssyncadd.s32 $0xFFFFC000  }
0x152: {  	v17 =	vld [tilespmem:s24+$0x14200]  }
0x153: {  	v18 =	vld [tilespmem:s24+$0x14210]  }
0x154: {  	v19 =	vld [tilespmem:s24+$0x14220]  }
0x155: {  	v20 =	vld [tilespmem:s24+$0x14230]  }
0x156: {  	v22 =	vld [tilespmem:s24+$0x14240]  }
0x157: {  	v23 =	vld [tilespmem:s24+$0x14250]  }
0x158: {  	v26 =	vld [tilespmem:s24+$0x14260]  }
0x159: {  	v9 =	vld [tilespmem:s24+$0x14270]  }
0x15a: {  	v8 =	vld [tilespmem:s24+$0x14600]  }
0x15b: {  	v7 =	vld [tilespmem:s24+$0x14610]  }
0x15c: {  	v6 =	vld [tilespmem:s24+$0x14620]  }
0x15d: {  	v5 =	vld [tilespmem:s24+$0x14630]  }
0x15e: {  	v4 =	vld [tilespmem:s24+$0x14640]  }
0x15f: {  	v3 =	vld [tilespmem:s24+$0x14650]  }
0x160: {  	v21 =	vld [tilespmem:s24+$0x10200]  }
0x161: {  	v24 =	vld [tilespmem:s24+$0x10210]  }
0x162: {  	v25 =	vld [tilespmem:s24+$0x10220]  }
0x163: {  	v27 =	vld [tilespmem:s24+$0x10230]  }
0x164: {  	v28 =	vld [tilespmem:s24+$0x10240]  }
0x165: {  	v29 =	vld [tilespmem:s24+$0x10250]  }
0x166: {  	v30 =	vld [tilespmem:s24+$0x10260]  }
0x167: {  	v31 =	vld [tilespmem:s24+$0x10270]  }
0x168: {  	v32 =	vld [tilespmem:s24+$0x10600]  }
0x169: {  	v16 =	vld [tilespmem:s24+$0x10610]  }
0x16a: {  	v15 =	vld [tilespmem:s24+$0x10620]  }
0x16b: {  	v14 =	vld [tilespmem:s24+$0x10630]  }
0x16c: {  	v13 =	vld [tilespmem:s24+$0x10640]  }
0x16d: {  	v12 =	vld [tilespmem:s24+$0x10650]  }
0x16e: {  	v11 =	vld [tilespmem:s24+$0x10660]  }
0x16f: {  	v10 =	vld [tilespmem:s24+$0x10670]  }
0x170: {  	v33 =	vld [tilespmem:s24+$0xC200]  }
0x171: {  	v34 =	vld [tilespmem:s24+$0xC210]  }
0x172: {  	v35 =	vld [tilespmem:s24+$0xC220]  }
0x173: {  	v36 =	vld [tilespmem:s24+$0xC230]  }
0x174: {  	v37 =	vld [tilespmem:s24+$0xC240]  }
0x175: {  	v60 =	vld [tilespmem:s24+$0xC250];
	v21 =	vadd.f32 v21, v33  }
0x176: {  	v61 =	vld [tilespmem:s24+$0xC260];
	v24 =	vadd.f32 v24, v34  }
0x177: {  	v62 =	vld [tilespmem:s24+$0xC270];
	v17 =	vadd.f32 v17, v21;
	v21 =	vadd.f32 v25, v35  }
0x178: {  	v63 =	vld [tilespmem:s24+$0xC600];
	v18 =	vadd.f32 v18, v24;
	v24 =	vadd.f32 v27, v36  }
0x179: {  	v25 =	vadd.f32 v28, v37;
	v17 =	vmul.f32 $3.333333430e-01, v17;
	v19 =	vadd.f32 v19, v21;
	v21 =	vld [tilespmem:s24+$0xC610]  }
0x17a: {  	v28 =	vadd.f32 v29, v60;
	v27 =	vmul.f32 $3.333333430e-01, v18;
	v24 =	vadd.f32 v20, v24;
	v20 =	vld [tilespmem:s24+$0xC620]  }
0x17b: {  	v30 =	vadd.f32 v30, v61;
	v29 =	vadd.f32 v22, v25;
	v18 =	vld [tilespmem:s24+$0xC630];
	[tilespmem:s24+$0xC200] =	vst v17;
	v17 =	vmul.f32 $3.333333430e-01, v19  }
0x17c: {  	v25 =	vadd.f32 v23, v28;
	v22 =	vadd.f32 v31, v62;
	[tilespmem:s24+$0xC210] =	vst v27;
	v24 =	vmul.f32 $3.333333430e-01, v24;
	v19 =	vld [tilespmem:s24+$0xC640]  }
0x17d: {  	s29 =	simm.s32 $0x100;
	v26 =	vadd.f32 v26, v30;
	v23 =	vadd.f32 v32, v63;
	v27 =	vmul.f32 $3.333333430e-01, v29;
	[tilespmem:s24+$0xC220] =	vst v17;
	v17 =	vld [tilespmem:s24+$0xC650]  }
.LBB2_4:
0x17e: {  	p0 =	sne.s32 s29, $0x3F00;
	[tilespmem:s24+$0xC230] =	vst v24;
	v24 =	vmul.f32 $3.333333430e-01, v25;
	v9 =	vadd.f32 v9, v22;
	v16 =	vadd.f32 v16, v21;
	v21 =	vld [tilespmem:s24+$0xC660]  }
0x17f: {  	s28 =	sadd.s32 $0x80, s28;
	[tilespmem:s24+$0xC240] =	vst v27;
	v22 =	vmul.f32 $3.333333430e-01, v26;
	v8 =	vadd.f32 v8, v23;
	v15 =	vadd.f32 v15, v20;
	v20 =	vld [tilespmem:s24+$0xC670]  }
0x180: {  	s30 =	sand.u32 $0x3800, s29;
	s31 =	sand.u32 $0x380, s28;
	[tilespmem:s24+$0xC250] =	vst v24;
	v9 =	vmul.f32 $3.333333430e-01, v9;
	v7 =	vadd.f32 v7, v16;
	v14 =	vadd.f32 v14, v18;
	v16 =	vld [tilespmem:s24+$0x14660]  }
0x181: {  	s30 =	sor.u32 s31, s30;
	[tilespmem:s24+$0xC260] =	vst v22;
	v8 =	vmul.f32 $3.333333430e-01, v8;
	v6 =	vadd.f32 v6, v15;
	v13 =	vadd.f32 v13, v19;
	v15 =	vld [tilespmem:s24+$0x14670]  }
0x182: {  	v18 =	vld [tilespmem:s30+$0x14200];
	[tilespmem:s24+$0xC270] =	vst v9;
	v7 =	vmul.f32 $3.333333430e-01, v7;
	v5 =	vadd.f32 v5, v14;
	v9 =	vadd.f32 v12, v17  }
0x183: {  	v17 =	vld [tilespmem:s30+$0x14210];
	[tilespmem:s24+$0xC600] =	vst v8;
	v6 =	vmul.f32 $3.333333430e-01, v6;
	v4 =	vadd.f32 v4, v13;
	v8 =	vadd.f32 v11, v21  }
0x184: {  	v19 =	vld [tilespmem:s30+$0x14220];
	[tilespmem:s24+$0xC610] =	vst v7;
	v5 =	vmul.f32 $3.333333430e-01, v5;
	v3 =	vadd.f32 v3, v9;
	v7 =	vadd.f32 v10, v20  }
0x185: {  	v20 =	vld [tilespmem:s30+$0x14230];
	[tilespmem:s24+$0xC620] =	vst v6;
	v4 =	vmul.f32 $3.333333430e-01, v4;
	v6 =	vadd.f32 v16, v8  }
0x186: {  	v22 =	vld [tilespmem:s30+$0x14240];
	[tilespmem:s24+$0xC630] =	vst v5;
	v3 =	vmul.f32 $3.333333430e-01, v3;
	v5 =	vadd.f32 v15, v7  }
0x187: {  	v23 =	vld [tilespmem:s30+$0x14250];
	[tilespmem:s24+$0xC640] =	vst v4;
	v4 =	vmul.f32 $3.333333430e-01, v6  }
0x188: {  	v26 =	vld [tilespmem:s30+$0x14260];
	[tilespmem:s24+$0xC650] =	vst v3;
	v3 =	vmul.f32 $3.333333430e-01, v5  }
0x189: {  	v9 =	vld [tilespmem:s30+$0x14270];
	[tilespmem:s24+$0xC660] =	vst v4  }
0x18a: {  	v8 =	vld [tilespmem:s30+$0x14600];
	[tilespmem:s24+$0xC670] =	vst v3;
	s24 =	smov.u32 s30  }
0x18b: {  	v7 =	vld [tilespmem:s24+$0x14610]  }
0x18c: {  	v6 =	vld [tilespmem:s24+$0x14620]  }
0x18d: {  	v5 =	vld [tilespmem:s24+$0x14630]  }
0x18e: {  	v4 =	vld [tilespmem:s24+$0x14640]  }
0x18f: {  	v3 =	vld [tilespmem:s24+$0x14650]  }
0x190: {  	v21 =	vld [tilespmem:s24+$0x10200]  }
0x191: {  	v24 =	vld [tilespmem:s24+$0x10210]  }
0x192: {  	v25 =	vld [tilespmem:s24+$0x10220]  }
0x193: {  	v27 =	vld [tilespmem:s24+$0x10230]  }
0x194: {  	v28 =	vld [tilespmem:s24+$0x10240]  }
0x195: {  	v29 =	vld [tilespmem:s24+$0x10250]  }
0x196: {  	v30 =	vld [tilespmem:s24+$0x10260]  }
0x197: {  	v31 =	vld [tilespmem:s24+$0x10270]  }
0x198: {  	v32 =	vld [tilespmem:s24+$0x10600]  }
0x199: {  	v16 =	vld [tilespmem:s24+$0x10610]  }
0x19a: {  	v15 =	vld [tilespmem:s24+$0x10620]  }
0x19b: {  	v14 =	vld [tilespmem:s24+$0x10630]  }
0x19c: {  	v13 =	vld [tilespmem:s24+$0x10640]  }
0x19d: {  	v12 =	vld [tilespmem:s24+$0x10650]  }
0x19e: {  	v11 =	vld [tilespmem:s24+$0x10660]  }
0x19f: {  	v10 =	vld [tilespmem:s24+$0x10670]  }
0x1a0: {  	v33 =	vld [tilespmem:s24+$0xC200]  }
0x1a1: {  	v34 =	vld [tilespmem:s24+$0xC210]  }
0x1a2: {  	v35 =	vld [tilespmem:s24+$0xC220]  }
0x1a3: {  	v36 =	vld [tilespmem:s24+$0xC230]  }
0x1a4: {  	v37 =	vld [tilespmem:s24+$0xC240]  }
0x1a5: {  	v21 =	vadd.f32 v21, v33;
	v33 =	vld [tilespmem:s24+$0xC250]  }
0x1a6: {  	v24 =	vadd.f32 v24, v34;
	v34 =	vld [tilespmem:s24+$0xC260]  }
0x1a7: {  	v18 =	vadd.f32 v18, v21;
	v21 =	vadd.f32 v25, v35;
	v35 =	vld [tilespmem:s24+$0xC270]  }
0x1a8: {  	v17 =	vadd.f32 v17, v24;
	v24 =	vadd.f32 v27, v36;
	v36 =	vld [tilespmem:s24+$0xC600]  }
.Ltmp1:
0x1a9: {  	v18 =	vmul.f32 $3.333333430e-01, v18;
	v19 =	vadd.f32 v19, v21;
	v25 =	vadd.f32 v28, v37;
	v21 =	vld [tilespmem:s24+$0xC610];
	(pc) =	sbr.rel @p0 .LBB2_4-.Ltmp1, $4  }
0x1aa: {  	v17 =	vmul.f32 $3.333333430e-01, v17;
	v24 =	vadd.f32 v20, v24;
	v27 =	vadd.f32 v29, v33;
	v20 =	vld [tilespmem:s24+$0xC620]  }
0x1ab: {  	[tilespmem:s24+$0xC200] =	vst v18;
	v28 =	vmul.f32 $3.333333430e-01, v19;
	v29 =	vadd.f32 v22, v25;
	v30 =	vadd.f32 v30, v34;
	v18 =	vld [tilespmem:s24+$0xC630]  }
0x1ac: {  	[tilespmem:s24+$0xC210] =	vst v17;
	v24 =	vmul.f32 $3.333333430e-01, v24;
	v25 =	vadd.f32 v23, v27;
	v22 =	vadd.f32 v31, v35;
	v19 =	vld [tilespmem:s24+$0xC640]  }
0x1ad: {  	s29 =	sadd.s32 $0x100, s29;
	[tilespmem:s24+$0xC220] =	vst v28;
	v27 =	vmul.f32 $3.333333430e-01, v29;
	v26 =	vadd.f32 v26, v30;
	v23 =	vadd.f32 v32, v36;
	v17 =	vld [tilespmem:s24+$0xC650]  }
0x1ae: {  	[tilespmem:s24+$0xC230] =	vst v24;
	v52 =	vmul.f32 $3.333333430e-01, v25;
	v53 =	vld [tilespmem:s24+$0xC660];
	v9 =	vadd.f32 v9, v22;
	v16 =	vadd.f32 v16, v21  }
0x1af: {  	v55 =	vld [tilespmem:s24+$0xC670];
	[tilespmem:s24+$0xC240] =	vst v27;
	v54 =	vmul.f32 $3.333333430e-01, v26;
	v8 =	vadd.f32 v8, v23;
	v15 =	vadd.f32 v15, v20  }
0x1b0: {  	v56 =	vld [tilespmem:s24+$0x14660];
	[tilespmem:s24+$0xC250] =	vst v52;
	v9 =	vmul.f32 $3.333333430e-01, v9;
	v7 =	vadd.f32 v7, v16;
	v14 =	vadd.f32 v14, v18  }
0x1b1: {  	v57 =	vld [tilespmem:s24+$0x14670];
	[tilespmem:s24+$0xC260] =	vst v54;
	v8 =	vmul.f32 $3.333333430e-01, v8;
	v6 =	vadd.f32 v6, v15;
	v13 =	vadd.f32 v13, v19  }
0x1b2: {  	[tilespmem:s24+$0xC270] =	vst v9;
	v7 =	vmul.f32 $3.333333430e-01, v7;
	v5 =	vadd.f32 v5, v14;
	v58 =	vadd.f32 v12, v17  }
0x1b3: {  	[tilespmem:s24+$0xC600] =	vst v8;
	v6 =	vmul.f32 $3.333333430e-01, v6;
	v4 =	vadd.f32 v4, v13;
	v59 =	vadd.f32 v11, v53  }
0x1b4: {  	v60 =	vadd.f32 v10, v55;
	[tilespmem:s24+$0xC610] =	vst v7;
	v5 =	vmul.f32 $3.333333430e-01, v5;
	v3 =	vadd.f32 v3, v58  }
0x1b5: {  	[tilespmem:s24+$0xC620] =	vst v6;
	v4 =	vmul.f32 $3.333333430e-01, v4;
	v61 =	vadd.f32 v56, v59  }
0x1b6: {  	v62 =	vadd.f32 v57, v60;
	[tilespmem:s24+$0xC630] =	vst v5;
	v3 =	vmul.f32 $3.333333430e-01, v3  }
0x1b7: {  	[tilespmem:s24+$0xC640] =	vst v4;
	v63 =	vmul.f32 $3.333333430e-01, v61  }
0x1b8: {  	[tilespmem:s24+$0xC650] =	vst v3;
	v3 =	vmul.f32 $3.333333430e-01, v62  }
0x1b9: {  	[tilespmem:s24+$0xC660] =	vst v63  }
0x1ba: {  	[tilespmem:s24+$0xC670] =	vst v3  }
0x1bb: {  	[hbm4b:s12+s2] =	stream.linear.scatter [tilespmem:s25], [sflag:$0x4], $0x4000, $0x38;
	[tilespmem:$0x18200] =	vst v63  }
0x1bc: {  	_ = 	snop  }
0x1bd: {  	[tilespmem:s22], [sflag:$0x6] =	stream.linear.gather [hbm4b:s13+s2], $0x4000, $0x38;
	[tilespmem:$0x18200] =	vst v63  }
0x1be: {  	_ =	swait.ge [sflag:s17], $0x4000  }
0x1bf: {  	[sflag:s17] =	ssyncset.done $0x0  }
0x1c0: {  	[sflag:s17] =	ssyncadd.s32 $0xFFFFC000  }
0x1c1: {  	[hbm4b:s9+s2] =	stream.linear.scatter [tilespmem:s22], [sflag:$0x5], $0x4000, $0x38;
	[tilespmem:$0x18200] =	vst v63  }
0x1c2: {  	_ = 	snop  }
0x1c3: {  	[tilespmem:s26], [sflag:$0x6] =	stream.linear.gather [hbm4b:s14+s2], $0x4000, $0x38;
	[tilespmem:$0x18200] =	vst v63  }
0x1c4: {  	_ =	swait.ge [sflag:s17], $0x4000  }
0x1c5: {  	[sflag:s17] =	ssyncset.done $0x0  }
0x1c6: {  	[sflag:s17] =	ssyncadd.s32 $0xFFFFC000  }
0x1c7: {  	[hbm4b:s15+s2] =	stream.linear.scatter [tilespmem:s26], [sflag:$0x5], $0x4000, $0x38;
	[tilespmem:$0x18200] =	vst v63  }
0x1c8: {  	_ =	swait.ge [sflag:s18], $0x4000  }
0x1c9: {  	[sflag:s18] =	ssyncset.done $0x0  }
0x1ca: {  	[sflag:s18] =	ssyncadd.s32 $0xFFFFC000  }
0x1cb: {  	_ =	swait.ge [sflag:s18], $0x4000  }
0x1cc: {  	[sflag:s18] =	ssyncset.done $0x0  }
0x1cd: {  	s23 =	sadd.s32 $0x1, s23;
	[sflag:s18] =	ssyncadd.s32 $0xFFFFC000  }
0x1ce: {  	p0 =	sne.s32 s23, s16;
	_ =	swait.ge [sflag:s19], $0x4000  }
.Ltmp2:
0x1cf: {  	[sflag:s19] =	ssyncset.done $0x0;
	(pc) =	sbr.rel @p0 .LBB2_1-.Ltmp2, $4  }
0x1d0: {  	[sflag:s19] =	ssyncadd.s32 $0xFFFFC000  }
0x1d1: {  	_ =	swait.ge [sflag:s19], $0x4000  }
0x1d2: {  	[sflag:s19] =	ssyncset.done $0x0  }
0x1d3: {  	[sflag:s19] =	ssyncadd.s32 $0xFFFFC000  }
0x1d4: {  	_ =	sfence.sel $0x180000  }
0x1d5: {  	[bflag:$0x0] =	sbarrier.arrive $0xFFFF  }
0x1d6: {  	_ =	strace $0x9000004A  }
0x1d7: {  	s0 =	stileid.u32;
	[bflag:$0x2] =	sbarrier.arrive $0xFFFF  }
0x1d8: {  	p0 =	sne.s32 s0, $0x0;
	s0 =	rddreg [dreg:$0x3]  }
0x1d9: {  	s0 =	sadd.s32 @!p0 $0x100000, s0  }
0x1da: {  	[sflag:s0] =	ssyncadd.tile.s32 @!p0 $0x1;
	_ =	shalt  }
.Lfunc_end2:
_tile_overlayer_lowered:
.L_overlay_start_2:
0x1db: {  	(tag) =	ssettag $0x2  }
0x1dc: {  	s0 =	rddreg [dreg:$0x0];
	s2 =	stileid.u32  }
0x1dd: {  	s1 =	rddreg [dreg:$0x1];
	p0 =	sne.s32 s2, $0x0  }
0x1de: {  	s3 =	rddreg [dreg:$0x2];
	[bflag:$0x3] =	sbarrier.arrive $0xFFFF;
	s2 =	simm.s32 @!p0 $0x1C06  }
0x1df: {  	[timem:s3], [sflag:s2] =	dma.local @!p0 [hbm:s0], s1  }
0x1e0: {  	s0 =	simm.s32 @!p0 $0x6  }
0x1e1: {  	_ =	swait.ge @!p0 [sflag:s0], s1  }
0x1e2: {  	s1 =	ssub.s32 @!p0 $0x0, s1;
	[sflag:s0] =	ssyncset.done @!p0 $0x0  }
0x1e3: {  	[sflag:s0] =	ssyncadd.s32 @!p0 s1  }
0x1e4: {  	[bflag:$0x3] =	sbarrier.arrive $0xFFFF  }
0x1e5: {  	_ =	shalt  }

</sc_bundles>
